<compile_context>
chip_gen: v7x
topology: tpu7x:2x2x1
jax: 0.10.2.dev20260603
libtpu: 0.0.44.dev20260713+nightly
codegen_flags: <defaults>
</compile_context>

<pallas_src>
import jax
import jax.numpy as jnp
from jax import lax
from jax.experimental import pallas as pl
from jax.experimental.pallas import tpu as pltpu
from jax.experimental.pallas import tpu_sc as plsc

B, C, H, W = 32, 2, 512, 512
HW = H * W
NC = 2
NS = 16
LANES = 16
IMGS_PER_CORE = B // NC
ROWS_PER_TILE = H // NS
CHUNK = ROWS_PER_TILE * W
SUBROWS = ROWS_PER_TILE // 2
SUBCH = SUBROWS * W
SUBVECS = SUBCH // LANES
VPR = W // LANES


def _flow_body(x_hbm, out_hbm, in0_v, in1_v,
               vfxA, vfyA, cntA, idxA, vfxB, vfyB, cntB, idxB,
               acc0_s, acc1_s, accc_s,
               sA0, sA1, sA2, sB0, sB1, sB2, sW0, sW1):
    c = lax.axis_index("c")
    s = lax.axis_index("s")
    base = s * CHUNK
    y0 = s * ROWS_PER_TILE

    iota_f = lax.iota(jnp.int32, LANES).astype(jnp.float32)
    fzero = jnp.zeros((LANES,), jnp.float32)
    fone = jnp.full((LANES,), 1.0, jnp.float32)
    fw = jnp.full((LANES,), float(W), jnp.float32)
    fh = jnp.full((LANES,), float(H), jnp.float32)
    mask = jnp.full((LANES,), HW - 1, jnp.int32)

    halves = ((vfxA, vfyA, cntA, idxA), (vfxB, vfyB, cntB, idxB))
    scat_sems = ((sA0, sA1, sA2), (sB0, sB1, sB2))

    def zinit(i, carry):
        vfxA[pl.ds(i * LANES, LANES)] = fzero
        return carry
    lax.fori_loop(0, SUBVECS, zinit, 0)
    for acc in (acc0_s, acc1_s, accc_s):
        pltpu.sync_copy(vfxA, acc.at[pl.ds(base, SUBCH)])
        pltpu.sync_copy(vfxA, acc.at[pl.ds(base + SUBCH, SUBCH)])
    plsc.subcore_barrier()

    def compute_half(j, vfx, vfy, cnt, idx):
        yj = y0 + j * SUBROWS

        def row(r, carry1):
            yf = (yj + r).astype(jnp.float32)
            p0 = r * W

            def col(q, carry2):
                for u in range(4):
                    cb = q * (4 * LANES) + u * LANES
                    p = p0 + cb
                    fx = in0_v[r, pl.ds(cb, LANES)]
                    fy = in1_v[r, pl.ds(cb, LANES)]
                    sx = iota_f + cb.astype(jnp.float32) + fx
                    sy = yf + fy
                    valid = ((sx >= fzero) & (sx < fw) &
                             (sy >= fzero) & (sy < fh))
                    tx = sx.astype(jnp.int32)
                    ty = sy.astype(jnp.int32)
                    idx[pl.ds(p, LANES)] = lax.bitwise_and(
                        ty * W + tx, mask)
                    vfx[pl.ds(p, LANES)] = jnp.where(valid, -fx, fzero)
                    vfy[pl.ds(p, LANES)] = jnp.where(valid, -fy, fzero)
                    cnt[pl.ds(p, LANES)] = jnp.where(valid, fone, fzero)
                return carry2
            lax.fori_loop(0, VPR // 4, col, 0)
            return carry1
        lax.fori_loop(0, SUBROWS, row, 0)

    def per_image(img, carry):
        b = c * IMGS_PER_CORE + img

        scats = []
        for j in range(2):
            vfx, vfy, cnt, idx = halves[j]
            m0, m1, m2 = scat_sems[j]
            yj = y0 + j * SUBROWS
            pltpu.sync_copy(x_hbm.at[b, 0, pl.ds(yj, SUBROWS), :], in0_v)
            pltpu.sync_copy(x_hbm.at[b, 1, pl.ds(yj, SUBROWS), :], in1_v)
            compute_half(j, vfx, vfy, cnt, idx)
            scats.append(pltpu.async_copy(vfx, acc0_s.at[idx], m0, add=True))
            scats.append(pltpu.async_copy(vfy, acc1_s.at[idx], m1, add=True))
            scats.append(pltpu.async_copy(cnt, accc_s.at[idx], m2, add=True))
        for d in scats:
            d.wait()
        plsc.subcore_barrier()

        reads = []
        for j in range(2):
            vfx, vfy, cnt, _ = halves[j]
            m0, m1, m2 = scat_sems[j]
            o = base + j * SUBCH
            reads.append(pltpu.async_copy(
                acc0_s.at[pl.ds(o, SUBCH)], vfx, m0))
            reads.append(pltpu.async_copy(
                acc1_s.at[pl.ds(o, SUBCH)], vfy, m1))
            reads.append(pltpu.async_copy(
                accc_s.at[pl.ds(o, SUBCH)], cnt, m2))
        writes = []
        zeros = []
        for j in range(2):
            vfx, vfy, cnt, _ = halves[j]
            for d in reads[3 * j:3 * j + 3]:
                d.wait()
            if j == 1:
                for d in writes:
                    d.wait()
                writes = []

            def arow(r, carry1):
                p0 = r * W

                def acol(q, carry2):
                    for u in range(4):
                        cb = q * (4 * LANES) + u * LANES
                        p = p0 + cb
                        rcp = fone / jnp.maximum(
                            cnt[pl.ds(p, LANES)], fone)
                        in0_v[r, pl.ds(cb, LANES)] = (
                            vfx[pl.ds(p, LANES)] * rcp)
                        in1_v[r, pl.ds(cb, LANES)] = (
                            vfy[pl.ds(p, LANES)] * rcp)
                        if j == 0:
                            vfx[pl.ds(p, LANES)] = fzero
                    return carry2
                lax.fori_loop(0, VPR // 4, acol, 0)
                return carry1
            lax.fori_loop(0, SUBROWS, arow, 0)

            yj = y0 + j * SUBROWS
            writes.append(pltpu.async_copy(
                in0_v, out_hbm.at[b, 0, pl.ds(yj, SUBROWS), :], sW0))
            writes.append(pltpu.async_copy(
                in1_v, out_hbm.at[b, 1, pl.ds(yj, SUBROWS), :], sW1))
            o = base + j * SUBCH
            m0, m1, m2 = scat_sems[j]
            zeros.append(pltpu.async_copy(vfxA, acc0_s.at[pl.ds(o, SUBCH)],
                                          m0))
            zeros.append(pltpu.async_copy(vfxA, acc1_s.at[pl.ds(o, SUBCH)],
                                          m1))
            zeros.append(pltpu.async_copy(vfxA, accc_s.at[pl.ds(o, SUBCH)],
                                          m2))
        for d in writes:
            d.wait()
        for d in zeros:
            d.wait()
        plsc.subcore_barrier()
        return carry

    lax.fori_loop(0, IMGS_PER_CORE, per_image, 0)


@jax.jit
def kernel(tenOne):
    mesh = plsc.VectorSubcoreMesh(
        core_axis_name="c", subcore_axis_name="s", num_cores=NC,
        num_subcores=NS)
    out = pl.kernel(
        _flow_body,
        out_type=jax.ShapeDtypeStruct((B, C, H, W), jnp.float32),
        mesh=mesh,
        scratch_types=[
            pltpu.VMEM((SUBROWS, W), jnp.float32),
            pltpu.VMEM((SUBROWS, W), jnp.float32),
            pltpu.VMEM((SUBCH,), jnp.float32),
            pltpu.VMEM((SUBCH,), jnp.float32),
            pltpu.VMEM((SUBCH,), jnp.float32),
            pltpu.VMEM((SUBCH,), jnp.int32),
            pltpu.VMEM((SUBCH,), jnp.float32),
            pltpu.VMEM((SUBCH,), jnp.float32),
            pltpu.VMEM((SUBCH,), jnp.float32),
            pltpu.VMEM((SUBCH,), jnp.int32),
            pltpu.VMEM_SHARED((HW,), jnp.float32),
            pltpu.VMEM_SHARED((HW,), jnp.float32),
            pltpu.VMEM_SHARED((HW,), jnp.float32),
            pltpu.SemaphoreType.DMA,
            pltpu.SemaphoreType.DMA,
            pltpu.SemaphoreType.DMA,
            pltpu.SemaphoreType.DMA,
            pltpu.SemaphoreType.DMA,
            pltpu.SemaphoreType.DMA,
            pltpu.SemaphoreType.DMA,
            pltpu.SemaphoreType.DMA,
        ],
    )(tenOne)
    return out

# --- scband reference (transcript-rebuilt; emitter-appended) ---
"""Pipeline reference for scband-module-flow-proj-41583873359893 (READ-ONLY COPY).

The authoritative reference and input builder live on the scoring server;
editing this copy changes nothing except your own understanding.
"""

import jax, jax.numpy as jnp
import numpy as np


def setup_inputs(seed: int = 0) -> dict:
    key = jax.random.key(seed)
    # flow field [B, 2, H, W]; channel 0 = fx (horizontal), channel 1 = fy (vertical)
    tenOne = jax.random.normal(key, (32, 2, 512, 512), dtype=jnp.float32)
    return {"tenOne": tenOne}


def reference(tenOne):
    # Flow projection: each source pixel (y, x) splats its negated flow
    # (-fx, -fy) to the integer target location (y + fy, x + fx),
    # accumulating a hit count, then averages where count > 0.
    # (kernel_flowproj_updateOutput + kernel_flowproj_updataAvg; the
    # fillhole pass is skipped because it only runs when requires_grad is
    # False in the original, and we model the training path.)
    B, C, H, W = tenOne.shape
    fx = tenOne[:, 0]  # [B, H, W]
    fy = tenOne[:, 1]
    gx = jnp.arange(W, dtype=jnp.float32)[None, None, :]
    gy = jnp.arange(H, dtype=jnp.float32)[None, :, None]
    tx = jnp.floor(gx + fx).astype(jnp.int32)
    ty = jnp.floor(gy + fy).astype(jnp.int32)
    valid = (tx >= 0) & (tx < W) & (ty >= 0) & (ty < H)
    txc = jnp.clip(tx, 0, W - 1)
    tyc = jnp.clip(ty, 0, H - 1)
    bidx = jnp.arange(B, dtype=jnp.int32)[:, None, None]
    flat = (bidx * (H * W) + tyc * W + txc).reshape(-1)
    vfx = jnp.where(valid, -fx, 0.0).reshape(-1)
    vfy = jnp.where(valid, -fy, 0.0).reshape(-1)
    vcnt = jnp.where(valid, 1.0, 0.0).reshape(-1)
    out0 = jnp.zeros(B * H * W, dtype=jnp.float32).at[flat].add(vfx)
    out1 = jnp.zeros(B * H * W, dtype=jnp.float32).at[flat].add(vfy)
    cnt = jnp.zeros(B * H * W, dtype=jnp.float32).at[flat].add(vcnt)
    denom = jnp.where(cnt > 0, cnt, 1.0)
    out0 = (out0 / denom).reshape(B, H, W)
    out1 = (out1 / denom).reshape(B, H, W)
    return jnp.stack([out0, out1], axis=1)

if __name__ == "__main__":
    import jax
    _d = setup_inputs()
    print(jax.jit(kernel)(*tuple(_d.values())))

</pallas_src>

<mosaic_0001>
#map = affine_map<(d0, d1) -> (0, 0, 0, 0)>
module attributes {stable_mosaic.version = 14 : i64} {
  func.func @_flow_body(%arg0: i32, %arg1: i32, %arg2: memref<32x2x512x512xf32, #tpu.memory_space<hbm>>, %arg3: memref<32x2x512x512xf32, #tpu.memory_space<hbm>>, %arg4: memref<16x512xf32, #tpu.memory_space<vmem>>, %arg5: memref<16x512xf32, #tpu.memory_space<vmem>>, %arg6: memref<8192xf32, #tpu.memory_space<vmem>>, %arg7: memref<8192xf32, #tpu.memory_space<vmem>>, %arg8: memref<8192xf32, #tpu.memory_space<vmem>>, %arg9: memref<8192xi32, #tpu.memory_space<vmem>>, %arg10: memref<8192xf32, #tpu.memory_space<vmem>>, %arg11: memref<8192xf32, #tpu.memory_space<vmem>>, %arg12: memref<8192xf32, #tpu.memory_space<vmem>>, %arg13: memref<8192xi32, #tpu.memory_space<vmem>>, %arg14: memref<262144xf32, #tpu.memory_space<vmem_shared>>, %arg15: memref<262144xf32, #tpu.memory_space<vmem_shared>>, %arg16: memref<262144xf32, #tpu.memory_space<vmem_shared>>, %arg17: memref<!tpu.dma_semaphore, #tpu.memory_space<semaphore_mem>>, %arg18: memref<!tpu.dma_semaphore, #tpu.memory_space<semaphore_mem>>, %arg19: memref<!tpu.dma_semaphore, #tpu.memory_space<semaphore_mem>>, %arg20: memref<!tpu.dma_semaphore, #tpu.memory_space<semaphore_mem>>, %arg21: memref<!tpu.dma_semaphore, #tpu.memory_space<semaphore_mem>>, %arg22: memref<!tpu.dma_semaphore, #tpu.memory_space<semaphore_mem>>, %arg23: memref<!tpu.dma_semaphore, #tpu.memory_space<semaphore_mem>>, %arg24: memref<!tpu.dma_semaphore, #tpu.memory_space<semaphore_mem>>) attributes {dimension_semantics = [#tpu.dimension_semantics<core_parallel>, #tpu.dimension_semantics<subcore_parallel>], iteration_bounds = array<i64: 2, 16>, scalar_prefetch = 0 : i64, scratch_operands = 21 : i64, tpu.core_type = #tpu.core_type<sc_vector_subcore>, window_params = [{transform_indices = #map}, {transform_indices = #map}]} {
    %mul3A = arith.constant 16384 : i32
    %mul3A_0 = arith.muli %arg1, %mul3A : i32
    %mul3A_1 = arith.constant 32 : i32
    %mul3A_2 = arith.muli %arg1, %mul3A_1 : i32
    %iota3A = tpu.iota {dimensions = array<i32: 0>} : vector<16xi32>
    %convert_element_type3A = arith.sitofp %iota3A : vector<16xi32> to vector<16xf32>
    %broadcast_in_dim3A = arith.constant 0.000000e+00 : f32
    %broadcast_in_dim3A_3 = vector.broadcast %broadcast_in_dim3A : f32 to vector<16xf32>
    %broadcast_in_dim3A_4 = arith.constant 1.000000e+00 : f32
    %broadcast_in_dim3A_5 = vector.broadcast %broadcast_in_dim3A_4 : f32 to vector<16xf32>
    %broadcast_in_dim3A_6 = arith.constant 5.120000e+02 : f32
    %broadcast_in_dim3A_7 = vector.broadcast %broadcast_in_dim3A_6 : f32 to vector<16xf32>
    %broadcast_in_dim3A_8 = arith.constant 5.120000e+02 : f32
    %broadcast_in_dim3A_9 = vector.broadcast %broadcast_in_dim3A_8 : f32 to vector<16xf32>
    %broadcast_in_dim3A_10 = arith.constant 262143 : i32
    %broadcast_in_dim3A_11 = vector.broadcast %broadcast_in_dim3A_10 : i32 to vector<16xi32>
    %scan3A = arith.constant 0 : i32
    %scan3A_12 = arith.constant 0 : i32
    %scan3A_13 = arith.constant 512 : i32
    %scan3A_14 = arith.addi %scan3A_12, %scan3A_13 : i32
    %scan3A_15 = arith.constant 1 : i32
    scf.for %scan3A_28 = %scan3A_12 to %scan3A_14 step %scan3A_15  : i32 {
      %mul3A_29 = arith.constant 16 : i32
      %mul3A_30 = arith.muli %scan3A_28, %mul3A_29 : i32
      %swap3A = arith.index_cast %mul3A_30 : i32 to index
      %swap3A_31 = tpu.vector_load %arg6[%swap3A] {strides = array<i32>} : memref<8192xf32, #tpu.memory_space<vmem>>, vector<16xf32>,
      %swap3A_32 = vector.shape_cast %swap3A_31 : vector<16xf32> to vector<16xf32>
      %swap3A_33 = vector.shape_cast %broadcast_in_dim3A_3 : vector<16xf32> to vector<16xf32>
      tpu.vector_store %arg6[%swap3A], %swap3A_33 {strides = array<i32>} : memref<8192xf32, #tpu.memory_space<vmem>>, vector<16xf32>,
    }
    %scan3A_16 = arith.constant 512 : i32
    "tpu.region"() ({
      %run_scoped3A = tpu.sem_alloc : memref<!tpu.dma_semaphore, #tpu.memory_space<semaphore_mem>>
      %dma_start3A = tpu.memref_slice %arg14[%mul3A_0] : memref<262144xf32, #tpu.memory_space<vmem_shared>> -> memref<8192xf32, #tpu.memory_space<vmem_shared>>
      %dma_start3A_28 = tpu.memref_slice %arg14[%mul3A_0] : memref<262144xf32, #tpu.memory_space<vmem_shared>> -> memref<8192xf32, #tpu.memory_space<vmem_shared>>
      tpu.enqueue_dma source(%arg6 : memref<8192xf32, #tpu.memory_space<vmem>>) target(%dma_start3A_28 : memref<8192xf32, #tpu.memory_space<vmem_shared>>) target_semaphore(%run_scoped3A : memref<!tpu.dma_semaphore, #tpu.memory_space<semaphore_mem>>)
      %dma_wait3A = tpu.memref_slice %arg14[%mul3A_0] : memref<262144xf32, #tpu.memory_space<vmem_shared>> -> memref<8192xf32, #tpu.memory_space<vmem_shared>>
      %dma_wait3A_29 = tpu.memref_slice %arg14[%mul3A_0] : memref<262144xf32, #tpu.memory_space<vmem_shared>> -> memref<8192xf32, #tpu.memory_space<vmem_shared>>
      tpu.wait_dma2 semaphore(%run_scoped3A : memref<!tpu.dma_semaphore, #tpu.memory_space<semaphore_mem>>) src(%arg6 : memref<8192xf32, #tpu.memory_space<vmem>>) dst(%dma_wait3A_29 : memref<8192xf32, #tpu.memory_space<vmem_shared>>)
      tpu.yield
    }) : () -> ()
    %add3A = arith.constant 8192 : i32
    %add3A_17 = arith.addi %mul3A_0, %add3A : i32
    "tpu.region"() ({
      %run_scoped3A = tpu.sem_alloc : memref<!tpu.dma_semaphore, #tpu.memory_space<semaphore_mem>>
      %dma_start3A = tpu.memref_slice %arg14[%add3A_17] : memref<262144xf32, #tpu.memory_space<vmem_shared>> -> memref<8192xf32, #tpu.memory_space<vmem_shared>>
      %dma_start3A_28 = tpu.memref_slice %arg14[%add3A_17] : memref<262144xf32, #tpu.memory_space<vmem_shared>> -> memref<8192xf32, #tpu.memory_space<vmem_shared>>
      tpu.enqueue_dma source(%arg6 : memref<8192xf32, #tpu.memory_space<vmem>>) target(%dma_start3A_28 : memref<8192xf32, #tpu.memory_space<vmem_shared>>) target_semaphore(%run_scoped3A : memref<!tpu.dma_semaphore, #tpu.memory_space<semaphore_mem>>)
      %dma_wait3A = tpu.memref_slice %arg14[%add3A_17] : memref<262144xf32, #tpu.memory_space<vmem_shared>> -> memref<8192xf32, #tpu.memory_space<vmem_shared>>
      %dma_wait3A_29 = tpu.memref_slice %arg14[%add3A_17] : memref<262144xf32, #tpu.memory_space<vmem_shared>> -> memref<8192xf32, #tpu.memory_space<vmem_shared>>
      tpu.wait_dma2 semaphore(%run_scoped3A : memref<!tpu.dma_semaphore, #tpu.memory_space<semaphore_mem>>) src(%arg6 : memref<8192xf32, #tpu.memory_space<vmem>>) dst(%dma_wait3A_29 : memref<8192xf32, #tpu.memory_space<vmem_shared>>)
      tpu.yield
    }) : () -> ()
    "tpu.region"() ({
      %run_scoped3A = tpu.sem_alloc : memref<!tpu.dma_semaphore, #tpu.memory_space<semaphore_mem>>
      %dma_start3A = tpu.memref_slice %arg15[%mul3A_0] : memref<262144xf32, #tpu.memory_space<vmem_shared>> -> memref<8192xf32, #tpu.memory_space<vmem_shared>>
      %dma_start3A_28 = tpu.memref_slice %arg15[%mul3A_0] : memref<262144xf32, #tpu.memory_space<vmem_shared>> -> memref<8192xf32, #tpu.memory_space<vmem_shared>>
      tpu.enqueue_dma source(%arg6 : memref<8192xf32, #tpu.memory_space<vmem>>) target(%dma_start3A_28 : memref<8192xf32, #tpu.memory_space<vmem_shared>>) target_semaphore(%run_scoped3A : memref<!tpu.dma_semaphore, #tpu.memory_space<semaphore_mem>>)
      %dma_wait3A = tpu.memref_slice %arg15[%mul3A_0] : memref<262144xf32, #tpu.memory_space<vmem_shared>> -> memref<8192xf32, #tpu.memory_space<vmem_shared>>
      %dma_wait3A_29 = tpu.memref_slice %arg15[%mul3A_0] : memref<262144xf32, #tpu.memory_space<vmem_shared>> -> memref<8192xf32, #tpu.memory_space<vmem_shared>>
      tpu.wait_dma2 semaphore(%run_scoped3A : memref<!tpu.dma_semaphore, #tpu.memory_space<semaphore_mem>>) src(%arg6 : memref<8192xf32, #tpu.memory_space<vmem>>) dst(%dma_wait3A_29 : memref<8192xf32, #tpu.memory_space<vmem_shared>>)
      tpu.yield
    }) : () -> ()
    %add3A_18 = arith.constant 8192 : i32
    %add3A_19 = arith.addi %mul3A_0, %add3A_18 : i32
    "tpu.region"() ({
      %run_scoped3A = tpu.sem_alloc : memref<!tpu.dma_semaphore, #tpu.memory_space<semaphore_mem>>
      %dma_start3A = tpu.memref_slice %arg15[%add3A_19] : memref<262144xf32, #tpu.memory_space<vmem_shared>> -> memref<8192xf32, #tpu.memory_space<vmem_shared>>
      %dma_start3A_28 = tpu.memref_slice %arg15[%add3A_19] : memref<262144xf32, #tpu.memory_space<vmem_shared>> -> memref<8192xf32, #tpu.memory_space<vmem_shared>>
      tpu.enqueue_dma source(%arg6 : memref<8192xf32, #tpu.memory_space<vmem>>) target(%dma_start3A_28 : memref<8192xf32, #tpu.memory_space<vmem_shared>>) target_semaphore(%run_scoped3A : memref<!tpu.dma_semaphore, #tpu.memory_space<semaphore_mem>>)
      %dma_wait3A = tpu.memref_slice %arg15[%add3A_19] : memref<262144xf32, #tpu.memory_space<vmem_shared>> -> memref<8192xf32, #tpu.memory_space<vmem_shared>>
      %dma_wait3A_29 = tpu.memref_slice %arg15[%add3A_19] : memref<262144xf32, #tpu.memory_space<vmem_shared>> -> memref<8192xf32, #tpu.memory_space<vmem_shared>>
      tpu.wait_dma2 semaphore(%run_scoped3A : memref<!tpu.dma_semaphore, #tpu.memory_space<semaphore_mem>>) src(%arg6 : memref<8192xf32, #tpu.memory_space<vmem>>) dst(%dma_wait3A_29 : memref<8192xf32, #tpu.memory_space<vmem_shared>>)
      tpu.yield
    }) : () -> ()
    "tpu.region"() ({
      %run_scoped3A = tpu.sem_alloc : memref<!tpu.dma_semaphore, #tpu.memory_space<semaphore_mem>>
      %dma_start3A = tpu.memref_slice %arg16[%mul3A_0] : memref<262144xf32, #tpu.memory_space<vmem_shared>> -> memref<8192xf32, #tpu.memory_space<vmem_shared>>
      %dma_start3A_28 = tpu.memref_slice %arg16[%mul3A_0] : memref<262144xf32, #tpu.memory_space<vmem_shared>> -> memref<8192xf32, #tpu.memory_space<vmem_shared>>
      tpu.enqueue_dma source(%arg6 : memref<8192xf32, #tpu.memory_space<vmem>>) target(%dma_start3A_28 : memref<8192xf32, #tpu.memory_space<vmem_shared>>) target_semaphore(%run_scoped3A : memref<!tpu.dma_semaphore, #tpu.memory_space<semaphore_mem>>)
      %dma_wait3A = tpu.memref_slice %arg16[%mul3A_0] : memref<262144xf32, #tpu.memory_space<vmem_shared>> -> memref<8192xf32, #tpu.memory_space<vmem_shared>>
      %dma_wait3A_29 = tpu.memref_slice %arg16[%mul3A_0] : memref<262144xf32, #tpu.memory_space<vmem_shared>> -> memref<8192xf32, #tpu.memory_space<vmem_shared>>
      tpu.wait_dma2 semaphore(%run_scoped3A : memref<!tpu.dma_semaphore, #tpu.memory_space<semaphore_mem>>) src(%arg6 : memref<8192xf32, #tpu.memory_space<vmem>>) dst(%dma_wait3A_29 : memref<8192xf32, #tpu.memory_space<vmem_shared>>)
      tpu.yield
    }) : () -> ()
    %add3A_20 = arith.constant 8192 : i32
    %add3A_21 = arith.addi %mul3A_0, %add3A_20 : i32
    "tpu.region"() ({
      %run_scoped3A = tpu.sem_alloc : memref<!tpu.dma_semaphore, #tpu.memory_space<semaphore_mem>>
      %dma_start3A = tpu.memref_slice %arg16[%add3A_21] : memref<262144xf32, #tpu.memory_space<vmem_shared>> -> memref<8192xf32, #tpu.memory_space<vmem_shared>>
      %dma_start3A_28 = tpu.memref_slice %arg16[%add3A_21] : memref<262144xf32, #tpu.memory_space<vmem_shared>> -> memref<8192xf32, #tpu.memory_space<vmem_shared>>
      tpu.enqueue_dma source(%arg6 : memref<8192xf32, #tpu.memory_space<vmem>>) target(%dma_start3A_28 : memref<8192xf32, #tpu.memory_space<vmem_shared>>) target_semaphore(%run_scoped3A : memref<!tpu.dma_semaphore, #tpu.memory_space<semaphore_mem>>)
      %dma_wait3A = tpu.memref_slice %arg16[%add3A_21] : memref<262144xf32, #tpu.memory_space<vmem_shared>> -> memref<8192xf32, #tpu.memory_space<vmem_shared>>
      %dma_wait3A_29 = tpu.memref_slice %arg16[%add3A_21] : memref<262144xf32, #tpu.memory_space<vmem_shared>> -> memref<8192xf32, #tpu.memory_space<vmem_shared>>
      tpu.wait_dma2 semaphore(%run_scoped3A : memref<!tpu.dma_semaphore, #tpu.memory_space<semaphore_mem>>) src(%arg6 : memref<8192xf32, #tpu.memory_space<vmem>>) dst(%dma_wait3A_29 : memref<8192xf32, #tpu.memory_space<vmem_shared>>)
      tpu.yield
    }) : () -> ()
    %barrier3A = arith.constant 0 : index
    tpu.barrier barrier_id(%barrier3A)
    %scan3A_22 = arith.constant 0 : i32
    %scan3A_23 = arith.constant 0 : i32
    %scan3A_24 = arith.constant 16 : i32
    %scan3A_25 = arith.addi %scan3A_23, %scan3A_24 : i32
    %scan3A_26 = arith.constant 1 : i32
    scf.for %scan3A_28 = %scan3A_23 to %scan3A_25 step %scan3A_26  : i32 {
      %mul3A_29 = arith.constant 16 : i32
      %mul3A_30 = arith.muli %arg0, %mul3A_29 : i32
      %add3A_31 = arith.addi %mul3A_30, %scan3A_28 : i32
      %add3A_32 = arith.constant 0 : i32
      %add3A_33 = arith.addi %mul3A_2, %add3A_32 : i32
      %run_scoped3A = arith.constant 0 : i32
      "tpu.region"() ({
        %run_scoped3A_207 = tpu.sem_alloc : memref<!tpu.dma_semaphore, #tpu.memory_space<semaphore_mem>>
        %dma_start3A_208 = arith.constant 0 : i32
        %dma_start3A_209 = tpu.memref_slice %arg2[%add3A_31, %run_scoped3A, %add3A_33, %dma_start3A_208] : memref<32x2x512x512xf32, #tpu.memory_space<hbm>> -> memref<1x1x16x512xf32, #tpu.memory_space<hbm>>
        %dma_start3A_210 = tpu.memref_squeeze %dma_start3A_209 : memref<1x1x16x512xf32, #tpu.memory_space<hbm>> -> memref<16x512xf32, #tpu.memory_space<hbm>>
        %dma_start3A_211 = arith.constant 0 : i32
        %dma_start3A_212 = tpu.memref_slice %arg2[%add3A_31, %run_scoped3A, %add3A_33, %dma_start3A_211] : memref<32x2x512x512xf32, #tpu.memory_space<hbm>> -> memref<1x1x16x512xf32, #tpu.memory_space<hbm>>
        %dma_start3A_213 = tpu.memref_squeeze %dma_start3A_212 : memref<1x1x16x512xf32, #tpu.memory_space<hbm>> -> memref<16x512xf32, #tpu.memory_space<hbm>>
        tpu.enqueue_dma source(%dma_start3A_213 : memref<16x512xf32, #tpu.memory_space<hbm>>) target(%arg4 : memref<16x512xf32, #tpu.memory_space<vmem>>) target_semaphore(%run_scoped3A_207 : memref<!tpu.dma_semaphore, #tpu.memory_space<semaphore_mem>>)
        %dma_wait3A_214 = arith.constant 0 : i32
        %dma_wait3A_215 = tpu.memref_slice %arg2[%add3A_31, %run_scoped3A, %add3A_33, %dma_wait3A_214] : memref<32x2x512x512xf32, #tpu.memory_space<hbm>> -> memref<1x1x16x512xf32, #tpu.memory_space<hbm>>
        %dma_wait3A_216 = tpu.memref_squeeze %dma_wait3A_215 : memref<1x1x16x512xf32, #tpu.memory_space<hbm>> -> memref<16x512xf32, #tpu.memory_space<hbm>>
        %dma_wait3A_217 = arith.constant 0 : i32
        %dma_wait3A_218 = tpu.memref_slice %arg2[%add3A_31, %run_scoped3A, %add3A_33, %dma_wait3A_217] : memref<32x2x512x512xf32, #tpu.memory_space<hbm>> -> memref<1x1x16x512xf32, #tpu.memory_space<hbm>>
        %dma_wait3A_219 = tpu.memref_squeeze %dma_wait3A_218 : memref<1x1x16x512xf32, #tpu.memory_space<hbm>> -> memref<16x512xf32, #tpu.memory_space<hbm>>
        tpu.wait_dma2 semaphore(%run_scoped3A_207 : memref<!tpu.dma_semaphore, #tpu.memory_space<semaphore_mem>>) src(%dma_wait3A_219 : memref<16x512xf32, #tpu.memory_space<hbm>>) dst(%arg4 : memref<16x512xf32, #tpu.memory_space<vmem>>)
        tpu.yield
      }) : () -> ()
      %run_scoped3A_34 = arith.constant 1 : i32
      "tpu.region"() ({
        %run_scoped3A_207 = tpu.sem_alloc : memref<!tpu.dma_semaphore, #tpu.memory_space<semaphore_mem>>
        %dma_start3A_208 = arith.constant 0 : i32
        %dma_start3A_209 = tpu.memref_slice %arg2[%add3A_31, %run_scoped3A_34, %add3A_33, %dma_start3A_208] : memref<32x2x512x512xf32, #tpu.memory_space<hbm>> -> memref<1x1x16x512xf32, #tpu.memory_space<hbm>>
        %dma_start3A_210 = tpu.memref_squeeze %dma_start3A_209 : memref<1x1x16x512xf32, #tpu.memory_space<hbm>> -> memref<16x512xf32, #tpu.memory_space<hbm>>
        %dma_start3A_211 = arith.constant 0 : i32
        %dma_start3A_212 = tpu.memref_slice %arg2[%add3A_31, %run_scoped3A_34, %add3A_33, %dma_start3A_211] : memref<32x2x512x512xf32, #tpu.memory_space<hbm>> -> memref<1x1x16x512xf32, #tpu.memory_space<hbm>>
        %dma_start3A_213 = tpu.memref_squeeze %dma_start3A_212 : memref<1x1x16x512xf32, #tpu.memory_space<hbm>> -> memref<16x512xf32, #tpu.memory_space<hbm>>
        tpu.enqueue_dma source(%dma_start3A_213 : memref<16x512xf32, #tpu.memory_space<hbm>>) target(%arg5 : memref<16x512xf32, #tpu.memory_space<vmem>>) target_semaphore(%run_scoped3A_207 : memref<!tpu.dma_semaphore, #tpu.memory_space<semaphore_mem>>)
        %dma_wait3A_214 = arith.constant 0 : i32
        %dma_wait3A_215 = tpu.memref_slice %arg2[%add3A_31, %run_scoped3A_34, %add3A_33, %dma_wait3A_214] : memref<32x2x512x512xf32, #tpu.memory_space<hbm>> -> memref<1x1x16x512xf32, #tpu.memory_space<hbm>>
        %dma_wait3A_216 = tpu.memref_squeeze %dma_wait3A_215 : memref<1x1x16x512xf32, #tpu.memory_space<hbm>> -> memref<16x512xf32, #tpu.memory_space<hbm>>
        %dma_wait3A_217 = arith.constant 0 : i32
        %dma_wait3A_218 = tpu.memref_slice %arg2[%add3A_31, %run_scoped3A_34, %add3A_33, %dma_wait3A_217] : memref<32x2x512x512xf32, #tpu.memory_space<hbm>> -> memref<1x1x16x512xf32, #tpu.memory_space<hbm>>
        %dma_wait3A_219 = tpu.memref_squeeze %dma_wait3A_218 : memref<1x1x16x512xf32, #tpu.memory_space<hbm>> -> memref<16x512xf32, #tpu.memory_space<hbm>>
        tpu.wait_dma2 semaphore(%run_scoped3A_207 : memref<!tpu.dma_semaphore, #tpu.memory_space<semaphore_mem>>) src(%dma_wait3A_219 : memref<16x512xf32, #tpu.memory_space<hbm>>) dst(%arg5 : memref<16x512xf32, #tpu.memory_space<vmem>>)
        tpu.yield
      }) : () -> ()
      %add3A_35 = arith.constant 0 : i32
      %add3A_36 = arith.addi %mul3A_2, %add3A_35 : i32
      %scan3A_37 = arith.constant 0 : i32
      %scan3A_38 = arith.constant 0 : i32
      %scan3A_39 = arith.constant 16 : i32
      %scan3A_40 = arith.addi %scan3A_38, %scan3A_39 : i32
      %scan3A_41 = arith.constant 1 : i32
      scf.for %scan3A_207 = %scan3A_38 to %scan3A_40 step %scan3A_41  : i32 {
        %add3A_208 = arith.addi %add3A_36, %scan3A_207 : i32
        %convert_element_type3A_209 = arith.sitofp %add3A_208 : i32 to f32
        %mul3A_210 = arith.constant 512 : i32
        %mul3A_211 = arith.muli %scan3A_207, %mul3A_210 : i32
        %scan3A_212 = arith.constant 0 : i32
        %scan3A_213 = arith.constant 0 : i32
        %scan3A_214 = arith.constant 8 : i32
        %scan3A_215 = arith.addi %scan3A_213, %scan3A_214 : i32
        %scan3A_216 = arith.constant 1 : i32
        scf.for %scan3A_218 = %scan3A_213 to %scan3A_215 step %scan3A_216  : i32 {
          %mul3A_219 = arith.constant 64 : i32
          %mul3A_220 = arith.muli %scan3A_218, %mul3A_219 : i32
          %add3A_221 = arith.constant 0 : i32
          %add3A_222 = arith.addi %mul3A_220, %add3A_221 : i32
          %add3A_223 = arith.addi %mul3A_211, %add3A_222 : i32
          %get3A = arith.index_cast %scan3A_207 : i32 to index
          %get3A_224 = arith.index_cast %add3A_222 : i32 to index
          %get3A_225 = tpu.vector_load %arg4[%get3A, %get3A_224] {strides = array<i32>} : memref<16x512xf32, #tpu.memory_space<vmem>>, vector<1x16xf32>,
          %get3A_226 = vector.shape_cast %get3A_225 : vector<1x16xf32> to vector<16xf32>
          %get3A_227 = arith.index_cast %scan3A_207 : i32 to index
          %get3A_228 = arith.index_cast %add3A_222 : i32 to index
          %get3A_229 = tpu.vector_load %arg5[%get3A_227, %get3A_228] {strides = array<i32>} : memref<16x512xf32, #tpu.memory_space<vmem>>, vector<1x16xf32>,
          %get3A_230 = vector.shape_cast %get3A_229 : vector<1x16xf32> to vector<16xf32>
          %convert_element_type3A_231 = arith.sitofp %add3A_222 : i32 to f32
          %add3A_232 = vector.broadcast %convert_element_type3A_231 : f32 to vector<16xf32>
          %add3A_233 = arith.addf %convert_element_type3A, %add3A_232 : vector<16xf32>
          %add3A_234 = arith.addf %add3A_233, %get3A_226 : vector<16xf32>
          %add3A_235 = vector.broadcast %convert_element_type3A_209 : f32 to vector<16xf32>
          %add3A_236 = arith.addf %add3A_235, %get3A_230 : vector<16xf32>
          %ge3A = arith.cmpf oge, %add3A_234, %broadcast_in_dim3A_3 : vector<16xf32>
          %lt3A = arith.cmpf olt, %add3A_234, %broadcast_in_dim3A_7 : vector<16xf32>
          %and3A = arith.andi %ge3A, %lt3A : vector<16xi1>
          %ge3A_237 = arith.cmpf oge, %add3A_236, %broadcast_in_dim3A_3 : vector<16xf32>
          %and3A_238 = arith.andi %and3A, %ge3A_237 : vector<16xi1>
          %lt3A_239 = arith.cmpf olt, %add3A_236, %broadcast_in_dim3A_9 : vector<16xf32>
          %and3A_240 = arith.andi %and3A_238, %lt3A_239 : vector<16xi1>
          %convert_element_type3A_241 = arith.fptosi %add3A_234 : vector<16xf32> to vector<16xi32>
          %convert_element_type3A_242 = arith.fptosi %add3A_236 : vector<16xf32> to vector<16xi32>
          %mul3A_243 = arith.constant 512 : i32
          %mul3A_244 = vector.broadcast %mul3A_243 : i32 to vector<16xi32>
          %mul3A_245 = arith.muli %convert_element_type3A_242, %mul3A_244 : vector<16xi32>
          %add3A_246 = arith.addi %mul3A_245, %convert_element_type3A_241 : vector<16xi32>
          %and3A_247 = arith.andi %add3A_246, %broadcast_in_dim3A_11 : vector<16xi32>
          %swap3A = arith.index_cast %add3A_223 : i32 to index
          %swap3A_248 = tpu.vector_load %arg9[%swap3A] {strides = array<i32>} : memref<8192xi32, #tpu.memory_space<vmem>>, vector<16xi32>,
          %swap3A_249 = vector.shape_cast %swap3A_248 : vector<16xi32> to vector<16xi32>
          %swap3A_250 = vector.shape_cast %and3A_247 : vector<16xi32> to vector<16xi32>
          tpu.vector_store %arg9[%swap3A], %swap3A_250 {strides = array<i32>} : memref<8192xi32, #tpu.memory_space<vmem>>, vector<16xi32>,
          %neg3A = arith.constant 0.000000e+00 : f32
          %neg3A_251 = vector.broadcast %neg3A : f32 to vector<16xf32>
          %neg3A_252 = arith.subf %neg3A_251, %get3A_226 : vector<16xf32>
          %select_n3A = arith.select %and3A_240, %neg3A_252, %broadcast_in_dim3A_3 : vector<16xi1>, vector<16xf32>
          %swap3A_253 = arith.index_cast %add3A_223 : i32 to index
          %swap3A_254 = tpu.vector_load %arg6[%swap3A_253] {strides = array<i32>} : memref<8192xf32, #tpu.memory_space<vmem>>, vector<16xf32>,
          %swap3A_255 = vector.shape_cast %swap3A_254 : vector<16xf32> to vector<16xf32>
          %swap3A_256 = vector.shape_cast %select_n3A : vector<16xf32> to vector<16xf32>
          tpu.vector_store %arg6[%swap3A_253], %swap3A_256 {strides = array<i32>} : memref<8192xf32, #tpu.memory_space<vmem>>, vector<16xf32>,
          %neg3A_257 = arith.constant 0.000000e+00 : f32
          %neg3A_258 = vector.broadcast %neg3A_257 : f32 to vector<16xf32>
          %neg3A_259 = arith.subf %neg3A_258, %get3A_230 : vector<16xf32>
          %select_n3A_260 = arith.select %and3A_240, %neg3A_259, %broadcast_in_dim3A_3 : vector<16xi1>, vector<16xf32>
          %swap3A_261 = arith.index_cast %add3A_223 : i32 to index
          %swap3A_262 = tpu.vector_load %arg7[%swap3A_261] {strides = array<i32>} : memref<8192xf32, #tpu.memory_space<vmem>>, vector<16xf32>,
          %swap3A_263 = vector.shape_cast %swap3A_262 : vector<16xf32> to vector<16xf32>
          %swap3A_264 = vector.shape_cast %select_n3A_260 : vector<16xf32> to vector<16xf32>
          tpu.vector_store %arg7[%swap3A_261], %swap3A_264 {strides = array<i32>} : memref<8192xf32, #tpu.memory_space<vmem>>, vector<16xf32>,
          %select_n3A_265 = arith.select %and3A_240, %broadcast_in_dim3A_5, %broadcast_in_dim3A_3 : vector<16xi1>, vector<16xf32>
          %swap3A_266 = arith.index_cast %add3A_223 : i32 to index
          %swap3A_267 = tpu.vector_load %arg8[%swap3A_266] {strides = array<i32>} : memref<8192xf32, #tpu.memory_space<vmem>>, vector<16xf32>,
          %swap3A_268 = vector.shape_cast %swap3A_267 : vector<16xf32> to vector<16xf32>
          %swap3A_269 = vector.shape_cast %select_n3A_265 : vector<16xf32> to vector<16xf32>
          tpu.vector_store %arg8[%swap3A_266], %swap3A_269 {strides = array<i32>} : memref<8192xf32, #tpu.memory_space<vmem>>, vector<16xf32>,
          %mul3A_270 = arith.constant 64 : i32
          %mul3A_271 = arith.muli %scan3A_218, %mul3A_270 : i32
          %add3A_272 = arith.constant 16 : i32
          %add3A_273 = arith.addi %mul3A_271, %add3A_272 : i32
          %add3A_274 = arith.addi %mul3A_211, %add3A_273 : i32
          %get3A_275 = arith.index_cast %scan3A_207 : i32 to index
          %get3A_276 = arith.index_cast %add3A_273 : i32 to index
          %get3A_277 = tpu.vector_load %arg4[%get3A_275, %get3A_276] {strides = array<i32>} : memref<16x512xf32, #tpu.memory_space<vmem>>, vector<1x16xf32>,
          %get3A_278 = vector.shape_cast %get3A_277 : vector<1x16xf32> to vector<16xf32>
          %get3A_279 = arith.index_cast %scan3A_207 : i32 to index
          %get3A_280 = arith.index_cast %add3A_273 : i32 to index
          %get3A_281 = tpu.vector_load %arg5[%get3A_279, %get3A_280] {strides = array<i32>} : memref<16x512xf32, #tpu.memory_space<vmem>>, vector<1x16xf32>,
          %get3A_282 = vector.shape_cast %get3A_281 : vector<1x16xf32> to vector<16xf32>
          %convert_element_type3A_283 = arith.sitofp %add3A_273 : i32 to f32
          %add3A_284 = vector.broadcast %convert_element_type3A_283 : f32 to vector<16xf32>
          %add3A_285 = arith.addf %convert_element_type3A, %add3A_284 : vector<16xf32>
          %add3A_286 = arith.addf %add3A_285, %get3A_278 : vector<16xf32>
          %add3A_287 = vector.broadcast %convert_element_type3A_209 : f32 to vector<16xf32>
          %add3A_288 = arith.addf %add3A_287, %get3A_282 : vector<16xf32>
          %ge3A_289 = arith.cmpf oge, %add3A_286, %broadcast_in_dim3A_3 : vector<16xf32>
          %lt3A_290 = arith.cmpf olt, %add3A_286, %broadcast_in_dim3A_7 : vector<16xf32>
          %and3A_291 = arith.andi %ge3A_289, %lt3A_290 : vector<16xi1>
          %ge3A_292 = arith.cmpf oge, %add3A_288, %broadcast_in_dim3A_3 : vector<16xf32>
          %and3A_293 = arith.andi %and3A_291, %ge3A_292 : vector<16xi1>
          %lt3A_294 = arith.cmpf olt, %add3A_288, %broadcast_in_dim3A_9 : vector<16xf32>
          %and3A_295 = arith.andi %and3A_293, %lt3A_294 : vector<16xi1>
          %convert_element_type3A_296 = arith.fptosi %add3A_286 : vector<16xf32> to vector<16xi32>
          %convert_element_type3A_297 = arith.fptosi %add3A_288 : vector<16xf32> to vector<16xi32>
          %mul3A_298 = arith.constant 512 : i32
          %mul3A_299 = vector.broadcast %mul3A_298 : i32 to vector<16xi32>
          %mul3A_300 = arith.muli %convert_element_type3A_297, %mul3A_299 : vector<16xi32>
          %add3A_301 = arith.addi %mul3A_300, %convert_element_type3A_296 : vector<16xi32>
          %and3A_302 = arith.andi %add3A_301, %broadcast_in_dim3A_11 : vector<16xi32>
          %swap3A_303 = arith.index_cast %add3A_274 : i32 to index
          %swap3A_304 = tpu.vector_load %arg9[%swap3A_303] {strides = array<i32>} : memref<8192xi32, #tpu.memory_space<vmem>>, vector<16xi32>,
          %swap3A_305 = vector.shape_cast %swap3A_304 : vector<16xi32> to vector<16xi32>
          %swap3A_306 = vector.shape_cast %and3A_302 : vector<16xi32> to vector<16xi32>
          tpu.vector_store %arg9[%swap3A_303], %swap3A_306 {strides = array<i32>} : memref<8192xi32, #tpu.memory_space<vmem>>, vector<16xi32>,
          %neg3A_307 = arith.constant 0.000000e+00 : f32
          %neg3A_308 = vector.broadcast %neg3A_307 : f32 to vector<16xf32>
          %neg3A_309 = arith.subf %neg3A_308, %get3A_278 : vector<16xf32>
          %select_n3A_310 = arith.select %and3A_295, %neg3A_309, %broadcast_in_dim3A_3 : vector<16xi1>, vector<16xf32>
          %swap3A_311 = arith.index_cast %add3A_274 : i32 to index
          %swap3A_312 = tpu.vector_load %arg6[%swap3A_311] {strides = array<i32>} : memref<8192xf32, #tpu.memory_space<vmem>>, vector<16xf32>,
          %swap3A_313 = vector.shape_cast %swap3A_312 : vector<16xf32> to vector<16xf32>
          %swap3A_314 = vector.shape_cast %select_n3A_310 : vector<16xf32> to vector<16xf32>
          tpu.vector_store %arg6[%swap3A_311], %swap3A_314 {strides = array<i32>} : memref<8192xf32, #tpu.memory_space<vmem>>, vector<16xf32>,
          %neg3A_315 = arith.constant 0.000000e+00 : f32
          %neg3A_316 = vector.broadcast %neg3A_315 : f32 to vector<16xf32>
          %neg3A_317 = arith.subf %neg3A_316, %get3A_282 : vector<16xf32>
          %select_n3A_318 = arith.select %and3A_295, %neg3A_317, %broadcast_in_dim3A_3 : vector<16xi1>, vector<16xf32>
          %swap3A_319 = arith.index_cast %add3A_274 : i32 to index
          %swap3A_320 = tpu.vector_load %arg7[%swap3A_319] {strides = array<i32>} : memref<8192xf32, #tpu.memory_space<vmem>>, vector<16xf32>,
          %swap3A_321 = vector.shape_cast %swap3A_320 : vector<16xf32> to vector<16xf32>
          %swap3A_322 = vector.shape_cast %select_n3A_318 : vector<16xf32> to vector<16xf32>
          tpu.vector_store %arg7[%swap3A_319], %swap3A_322 {strides = array<i32>} : memref<8192xf32, #tpu.memory_space<vmem>>, vector<16xf32>,
          %select_n3A_323 = arith.select %and3A_295, %broadcast_in_dim3A_5, %broadcast_in_dim3A_3 : vector<16xi1>, vector<16xf32>
          %swap3A_324 = arith.index_cast %add3A_274 : i32 to index
          %swap3A_325 = tpu.vector_load %arg8[%swap3A_324] {strides = array<i32>} : memref<8192xf32, #tpu.memory_space<vmem>>, vector<16xf32>,
          %swap3A_326 = vector.shape_cast %swap3A_325 : vector<16xf32> to vector<16xf32>
          %swap3A_327 = vector.shape_cast %select_n3A_323 : vector<16xf32> to vector<16xf32>
          tpu.vector_store %arg8[%swap3A_324], %swap3A_327 {strides = array<i32>} : memref<8192xf32, #tpu.memory_space<vmem>>, vector<16xf32>,
          %mul3A_328 = arith.constant 64 : i32
          %mul3A_329 = arith.muli %scan3A_218, %mul3A_328 : i32
          %add3A_330 = arith.constant 32 : i32
          %add3A_331 = arith.addi %mul3A_329, %add3A_330 : i32
          %add3A_332 = arith.addi %mul3A_211, %add3A_331 : i32
          %get3A_333 = arith.index_cast %scan3A_207 : i32 to index
          %get3A_334 = arith.index_cast %add3A_331 : i32 to index
          %get3A_335 = tpu.vector_load %arg4[%get3A_333, %get3A_334] {strides = array<i32>} : memref<16x512xf32, #tpu.memory_space<vmem>>, vector<1x16xf32>,
          %get3A_336 = vector.shape_cast %get3A_335 : vector<1x16xf32> to vector<16xf32>
          %get3A_337 = arith.index_cast %scan3A_207 : i32 to index
          %get3A_338 = arith.index_cast %add3A_331 : i32 to index
          %get3A_339 = tpu.vector_load %arg5[%get3A_337, %get3A_338] {strides = array<i32>} : memref<16x512xf32, #tpu.memory_space<vmem>>, vector<1x16xf32>,
          %get3A_340 = vector.shape_cast %get3A_339 : vector<1x16xf32> to vector<16xf32>
          %convert_element_type3A_341 = arith.sitofp %add3A_331 : i32 to f32
          %add3A_342 = vector.broadcast %convert_element_type3A_341 : f32 to vector<16xf32>
          %add3A_343 = arith.addf %convert_element_type3A, %add3A_342 : vector<16xf32>
          %add3A_344 = arith.addf %add3A_343, %get3A_336 : vector<16xf32>
          %add3A_345 = vector.broadcast %convert_element_type3A_209 : f32 to vector<16xf32>
          %add3A_346 = arith.addf %add3A_345, %get3A_340 : vector<16xf32>
          %ge3A_347 = arith.cmpf oge, %add3A_344, %broadcast_in_dim3A_3 : vector<16xf32>
          %lt3A_348 = arith.cmpf olt, %add3A_344, %broadcast_in_dim3A_7 : vector<16xf32>
          %and3A_349 = arith.andi %ge3A_347, %lt3A_348 : vector<16xi1>
          %ge3A_350 = arith.cmpf oge, %add3A_346, %broadcast_in_dim3A_3 : vector<16xf32>
          %and3A_351 = arith.andi %and3A_349, %ge3A_350 : vector<16xi1>
          %lt3A_352 = arith.cmpf olt, %add3A_346, %broadcast_in_dim3A_9 : vector<16xf32>
          %and3A_353 = arith.andi %and3A_351, %lt3A_352 : vector<16xi1>
          %convert_element_type3A_354 = arith.fptosi %add3A_344 : vector<16xf32> to vector<16xi32>
          %convert_element_type3A_355 = arith.fptosi %add3A_346 : vector<16xf32> to vector<16xi32>
          %mul3A_356 = arith.constant 512 : i32
          %mul3A_357 = vector.broadcast %mul3A_356 : i32 to vector<16xi32>
          %mul3A_358 = arith.muli %convert_element_type3A_355, %mul3A_357 : vector<16xi32>
          %add3A_359 = arith.addi %mul3A_358, %convert_element_type3A_354 : vector<16xi32>
          %and3A_360 = arith.andi %add3A_359, %broadcast_in_dim3A_11 : vector<16xi32>
          %swap3A_361 = arith.index_cast %add3A_332 : i32 to index
          %swap3A_362 = tpu.vector_load %arg9[%swap3A_361] {strides = array<i32>} : memref<8192xi32, #tpu.memory_space<vmem>>, vector<16xi32>,
          %swap3A_363 = vector.shape_cast %swap3A_362 : vector<16xi32> to vector<16xi32>
          %swap3A_364 = vector.shape_cast %and3A_360 : vector<16xi32> to vector<16xi32>
          tpu.vector_store %arg9[%swap3A_361], %swap3A_364 {strides = array<i32>} : memref<8192xi32, #tpu.memory_space<vmem>>, vector<16xi32>,
          %neg3A_365 = arith.constant 0.000000e+00 : f32
          %neg3A_366 = vector.broadcast %neg3A_365 : f32 to vector<16xf32>
          %neg3A_367 = arith.subf %neg3A_366, %get3A_336 : vector<16xf32>
          %select_n3A_368 = arith.select %and3A_353, %neg3A_367, %broadcast_in_dim3A_3 : vector<16xi1>, vector<16xf32>
          %swap3A_369 = arith.index_cast %add3A_332 : i32 to index
          %swap3A_370 = tpu.vector_load %arg6[%swap3A_369] {strides = array<i32>} : memref<8192xf32, #tpu.memory_space<vmem>>, vector<16xf32>,
          %swap3A_371 = vector.shape_cast %swap3A_370 : vector<16xf32> to vector<16xf32>
          %swap3A_372 = vector.shape_cast %select_n3A_368 : vector<16xf32> to vector<16xf32>
          tpu.vector_store %arg6[%swap3A_369], %swap3A_372 {strides = array<i32>} : memref<8192xf32, #tpu.memory_space<vmem>>, vector<16xf32>,
          %neg3A_373 = arith.constant 0.000000e+00 : f32
          %neg3A_374 = vector.broadcast %neg3A_373 : f32 to vector<16xf32>
          %neg3A_375 = arith.subf %neg3A_374, %get3A_340 : vector<16xf32>
          %select_n3A_376 = arith.select %and3A_353, %neg3A_375, %broadcast_in_dim3A_3 : vector<16xi1>, vector<16xf32>
          %swap3A_377 = arith.index_cast %add3A_332 : i32 to index
          %swap3A_378 = tpu.vector_load %arg7[%swap3A_377] {strides = array<i32>} : memref<8192xf32, #tpu.memory_space<vmem>>, vector<16xf32>,
          %swap3A_379 = vector.shape_cast %swap3A_378 : vector<16xf32> to vector<16xf32>
          %swap3A_380 = vector.shape_cast %select_n3A_376 : vector<16xf32> to vector<16xf32>
          tpu.vector_store %arg7[%swap3A_377], %swap3A_380 {strides = array<i32>} : memref<8192xf32, #tpu.memory_space<vmem>>, vector<16xf32>,
          %select_n3A_381 = arith.select %and3A_353, %broadcast_in_dim3A_5, %broadcast_in_dim3A_3 : vector<16xi1>, vector<16xf32>
          %swap3A_382 = arith.index_cast %add3A_332 : i32 to index
          %swap3A_383 = tpu.vector_load %arg8[%swap3A_382] {strides = array<i32>} : memref<8192xf32, #tpu.memory_space<vmem>>, vector<16xf32>,
          %swap3A_384 = vector.shape_cast %swap3A_383 : vector<16xf32> to vector<16xf32>
          %swap3A_385 = vector.shape_cast %select_n3A_381 : vector<16xf32> to vector<16xf32>
          tpu.vector_store %arg8[%swap3A_382], %swap3A_385 {strides = array<i32>} : memref<8192xf32, #tpu.memory_space<vmem>>, vector<16xf32>,
          %mul3A_386 = arith.constant 64 : i32
          %mul3A_387 = arith.muli %scan3A_218, %mul3A_386 : i32
          %add3A_388 = arith.constant 48 : i32
          %add3A_389 = arith.addi %mul3A_387, %add3A_388 : i32
          %add3A_390 = arith.addi %mul3A_211, %add3A_389 : i32
          %get3A_391 = arith.index_cast %scan3A_207 : i32 to index
          %get3A_392 = arith.index_cast %add3A_389 : i32 to index
          %get3A_393 = tpu.vector_load %arg4[%get3A_391, %get3A_392] {strides = array<i32>} : memref<16x512xf32, #tpu.memory_space<vmem>>, vector<1x16xf32>,
          %get3A_394 = vector.shape_cast %get3A_393 : vector<1x16xf32> to vector<16xf32>
          %get3A_395 = arith.index_cast %scan3A_207 : i32 to index
          %get3A_396 = arith.index_cast %add3A_389 : i32 to index
          %get3A_397 = tpu.vector_load %arg5[%get3A_395, %get3A_396] {strides = array<i32>} : memref<16x512xf32, #tpu.memory_space<vmem>>, vector<1x16xf32>,
          %get3A_398 = vector.shape_cast %get3A_397 : vector<1x16xf32> to vector<16xf32>
          %convert_element_type3A_399 = arith.sitofp %add3A_389 : i32 to f32
          %add3A_400 = vector.broadcast %convert_element_type3A_399 : f32 to vector<16xf32>
          %add3A_401 = arith.addf %convert_element_type3A, %add3A_400 : vector<16xf32>
          %add3A_402 = arith.addf %add3A_401, %get3A_394 : vector<16xf32>
          %add3A_403 = vector.broadcast %convert_element_type3A_209 : f32 to vector<16xf32>
          %add3A_404 = arith.addf %add3A_403, %get3A_398 : vector<16xf32>
          %ge3A_405 = arith.cmpf oge, %add3A_402, %broadcast_in_dim3A_3 : vector<16xf32>
          %lt3A_406 = arith.cmpf olt, %add3A_402, %broadcast_in_dim3A_7 : vector<16xf32>
          %and3A_407 = arith.andi %ge3A_405, %lt3A_406 : vector<16xi1>
          %ge3A_408 = arith.cmpf oge, %add3A_404, %broadcast_in_dim3A_3 : vector<16xf32>
          %and3A_409 = arith.andi %and3A_407, %ge3A_408 : vector<16xi1>
          %lt3A_410 = arith.cmpf olt, %add3A_404, %broadcast_in_dim3A_9 : vector<16xf32>
          %and3A_411 = arith.andi %and3A_409, %lt3A_410 : vector<16xi1>
          %convert_element_type3A_412 = arith.fptosi %add3A_402 : vector<16xf32> to vector<16xi32>
          %convert_element_type3A_413 = arith.fptosi %add3A_404 : vector<16xf32> to vector<16xi32>
          %mul3A_414 = arith.constant 512 : i32
          %mul3A_415 = vector.broadcast %mul3A_414 : i32 to vector<16xi32>
          %mul3A_416 = arith.muli %convert_element_type3A_413, %mul3A_415 : vector<16xi32>
          %add3A_417 = arith.addi %mul3A_416, %convert_element_type3A_412 : vector<16xi32>
          %and3A_418 = arith.andi %add3A_417, %broadcast_in_dim3A_11 : vector<16xi32>
          %swap3A_419 = arith.index_cast %add3A_390 : i32 to index
          %swap3A_420 = tpu.vector_load %arg9[%swap3A_419] {strides = array<i32>} : memref<8192xi32, #tpu.memory_space<vmem>>, vector<16xi32>,
          %swap3A_421 = vector.shape_cast %swap3A_420 : vector<16xi32> to vector<16xi32>
          %swap3A_422 = vector.shape_cast %and3A_418 : vector<16xi32> to vector<16xi32>
          tpu.vector_store %arg9[%swap3A_419], %swap3A_422 {strides = array<i32>} : memref<8192xi32, #tpu.memory_space<vmem>>, vector<16xi32>,
          %neg3A_423 = arith.constant 0.000000e+00 : f32
          %neg3A_424 = vector.broadcast %neg3A_423 : f32 to vector<16xf32>
          %neg3A_425 = arith.subf %neg3A_424, %get3A_394 : vector<16xf32>
          %select_n3A_426 = arith.select %and3A_411, %neg3A_425, %broadcast_in_dim3A_3 : vector<16xi1>, vector<16xf32>
          %swap3A_427 = arith.index_cast %add3A_390 : i32 to index
          %swap3A_428 = tpu.vector_load %arg6[%swap3A_427] {strides = array<i32>} : memref<8192xf32, #tpu.memory_space<vmem>>, vector<16xf32>,
          %swap3A_429 = vector.shape_cast %swap3A_428 : vector<16xf32> to vector<16xf32>
          %swap3A_430 = vector.shape_cast %select_n3A_426 : vector<16xf32> to vector<16xf32>
          tpu.vector_store %arg6[%swap3A_427], %swap3A_430 {strides = array<i32>} : memref<8192xf32, #tpu.memory_space<vmem>>, vector<16xf32>,
          %neg3A_431 = arith.constant 0.000000e+00 : f32
          %neg3A_432 = vector.broadcast %neg3A_431 : f32 to vector<16xf32>
          %neg3A_433 = arith.subf %neg3A_432, %get3A_398 : vector<16xf32>
          %select_n3A_434 = arith.select %and3A_411, %neg3A_433, %broadcast_in_dim3A_3 : vector<16xi1>, vector<16xf32>
          %swap3A_435 = arith.index_cast %add3A_390 : i32 to index
          %swap3A_436 = tpu.vector_load %arg7[%swap3A_435] {strides = array<i32>} : memref<8192xf32, #tpu.memory_space<vmem>>, vector<16xf32>,
          %swap3A_437 = vector.shape_cast %swap3A_436 : vector<16xf32> to vector<16xf32>
          %swap3A_438 = vector.shape_cast %select_n3A_434 : vector<16xf32> to vector<16xf32>
          tpu.vector_store %arg7[%swap3A_435], %swap3A_438 {strides = array<i32>} : memref<8192xf32, #tpu.memory_space<vmem>>, vector<16xf32>,
          %select_n3A_439 = arith.select %and3A_411, %broadcast_in_dim3A_5, %broadcast_in_dim3A_3 : vector<16xi1>, vector<16xf32>
          %swap3A_440 = arith.index_cast %add3A_390 : i32 to index
          %swap3A_441 = tpu.vector_load %arg8[%swap3A_440] {strides = array<i32>} : memref<8192xf32, #tpu.memory_space<vmem>>, vector<16xf32>,
          %swap3A_442 = vector.shape_cast %swap3A_441 : vector<16xf32> to vector<16xf32>
          %swap3A_443 = vector.shape_cast %select_n3A_439 : vector<16xf32> to vector<16xf32>
          tpu.vector_store %arg8[%swap3A_440], %swap3A_443 {strides = array<i32>} : memref<8192xf32, #tpu.memory_space<vmem>>, vector<16xf32>,
        }
        %scan3A_217 = arith.constant 8 : i32
      }
      %scan3A_42 = arith.constant 16 : i32
      %dma_start3A = arith.constant 0 : i32
      %dma_start3A_43 = tpu.memref_slice %arg14[%dma_start3A] : memref<262144xf32, #tpu.memory_space<vmem_shared>> -> memref<262144xf32, #tpu.memory_space<vmem_shared>>
      tpu.enqueue_indirect_dma source(%arg6 : memref<8192xf32, #tpu.memory_space<vmem>>) target(%dma_start3A_43 : memref<262144xf32, #tpu.memory_space<vmem_shared>>) offsets(%arg9 : memref<8192xi32, #tpu.memory_space<vmem>>) semaphore(%arg17 : memref<!tpu.dma_semaphore, #tpu.memory_space<semaphore_mem>>) {add = true}
      %dma_start3A_44 = arith.constant 0 : i32
      %dma_start3A_45 = tpu.memref_slice %arg15[%dma_start3A_44] : memref<262144xf32, #tpu.memory_space<vmem_shared>> -> memref<262144xf32, #tpu.memory_space<vmem_shared>>
      tpu.enqueue_indirect_dma source(%arg7 : memref<8192xf32, #tpu.memory_space<vmem>>) target(%dma_start3A_45 : memref<262144xf32, #tpu.memory_space<vmem_shared>>) offsets(%arg9 : memref<8192xi32, #tpu.memory_space<vmem>>) semaphore(%arg18 : memref<!tpu.dma_semaphore, #tpu.memory_space<semaphore_mem>>) {add = true}
      %dma_start3A_46 = arith.constant 0 : i32
      %dma_start3A_47 = tpu.memref_slice %arg16[%dma_start3A_46] : memref<262144xf32, #tpu.memory_space<vmem_shared>> -> memref<262144xf32, #tpu.memory_space<vmem_shared>>
      tpu.enqueue_indirect_dma source(%arg8 : memref<8192xf32, #tpu.memory_space<vmem>>) target(%dma_start3A_47 : memref<262144xf32, #tpu.memory_space<vmem_shared>>) offsets(%arg9 : memref<8192xi32, #tpu.memory_space<vmem>>) semaphore(%arg19 : memref<!tpu.dma_semaphore, #tpu.memory_space<semaphore_mem>>) {add = true}
      %add3A_48 = arith.constant 16 : i32
      %add3A_49 = arith.addi %mul3A_2, %add3A_48 : i32
      %run_scoped3A_50 = arith.constant 0 : i32
      "tpu.region"() ({
        %run_scoped3A_207 = tpu.sem_alloc : memref<!tpu.dma_semaphore, #tpu.memory_space<semaphore_mem>>
        %dma_start3A_208 = arith.constant 0 : i32
        %dma_start3A_209 = tpu.memref_slice %arg2[%add3A_31, %run_scoped3A_50, %add3A_49, %dma_start3A_208] : memref<32x2x512x512xf32, #tpu.memory_space<hbm>> -> memref<1x1x16x512xf32, #tpu.memory_space<hbm>>
        %dma_start3A_210 = tpu.memref_squeeze %dma_start3A_209 : memref<1x1x16x512xf32, #tpu.memory_space<hbm>> -> memref<16x512xf32, #tpu.memory_space<hbm>>
        %dma_start3A_211 = arith.constant 0 : i32
        %dma_start3A_212 = tpu.memref_slice %arg2[%add3A_31, %run_scoped3A_50, %add3A_49, %dma_start3A_211] : memref<32x2x512x512xf32, #tpu.memory_space<hbm>> -> memref<1x1x16x512xf32, #tpu.memory_space<hbm>>
        %dma_start3A_213 = tpu.memref_squeeze %dma_start3A_212 : memref<1x1x16x512xf32, #tpu.memory_space<hbm>> -> memref<16x512xf32, #tpu.memory_space<hbm>>
        tpu.enqueue_dma source(%dma_start3A_213 : memref<16x512xf32, #tpu.memory_space<hbm>>) target(%arg4 : memref<16x512xf32, #tpu.memory_space<vmem>>) target_semaphore(%run_scoped3A_207 : memref<!tpu.dma_semaphore, #tpu.memory_space<semaphore_mem>>)
        %dma_wait3A_214 = arith.constant 0 : i32
        %dma_wait3A_215 = tpu.memref_slice %arg2[%add3A_31, %run_scoped3A_50, %add3A_49, %dma_wait3A_214] : memref<32x2x512x512xf32, #tpu.memory_space<hbm>> -> memref<1x1x16x512xf32, #tpu.memory_space<hbm>>
        %dma_wait3A_216 = tpu.memref_squeeze %dma_wait3A_215 : memref<1x1x16x512xf32, #tpu.memory_space<hbm>> -> memref<16x512xf32, #tpu.memory_space<hbm>>
        %dma_wait3A_217 = arith.constant 0 : i32
        %dma_wait3A_218 = tpu.memref_slice %arg2[%add3A_31, %run_scoped3A_50, %add3A_49, %dma_wait3A_217] : memref<32x2x512x512xf32, #tpu.memory_space<hbm>> -> memref<1x1x16x512xf32, #tpu.memory_space<hbm>>
        %dma_wait3A_219 = tpu.memref_squeeze %dma_wait3A_218 : memref<1x1x16x512xf32, #tpu.memory_space<hbm>> -> memref<16x512xf32, #tpu.memory_space<hbm>>
        tpu.wait_dma2 semaphore(%run_scoped3A_207 : memref<!tpu.dma_semaphore, #tpu.memory_space<semaphore_mem>>) src(%dma_wait3A_219 : memref<16x512xf32, #tpu.memory_space<hbm>>) dst(%arg4 : memref<16x512xf32, #tpu.memory_space<vmem>>)
        tpu.yield
      }) : () -> ()
      %run_scoped3A_51 = arith.constant 1 : i32
      "tpu.region"() ({
        %run_scoped3A_207 = tpu.sem_alloc : memref<!tpu.dma_semaphore, #tpu.memory_space<semaphore_mem>>
        %dma_start3A_208 = arith.constant 0 : i32
        %dma_start3A_209 = tpu.memref_slice %arg2[%add3A_31, %run_scoped3A_51, %add3A_49, %dma_start3A_208] : memref<32x2x512x512xf32, #tpu.memory_space<hbm>> -> memref<1x1x16x512xf32, #tpu.memory_space<hbm>>
        %dma_start3A_210 = tpu.memref_squeeze %dma_start3A_209 : memref<1x1x16x512xf32, #tpu.memory_space<hbm>> -> memref<16x512xf32, #tpu.memory_space<hbm>>
        %dma_start3A_211 = arith.constant 0 : i32
        %dma_start3A_212 = tpu.memref_slice %arg2[%add3A_31, %run_scoped3A_51, %add3A_49, %dma_start3A_211] : memref<32x2x512x512xf32, #tpu.memory_space<hbm>> -> memref<1x1x16x512xf32, #tpu.memory_space<hbm>>
        %dma_start3A_213 = tpu.memref_squeeze %dma_start3A_212 : memref<1x1x16x512xf32, #tpu.memory_space<hbm>> -> memref<16x512xf32, #tpu.memory_space<hbm>>
        tpu.enqueue_dma source(%dma_start3A_213 : memref<16x512xf32, #tpu.memory_space<hbm>>) target(%arg5 : memref<16x512xf32, #tpu.memory_space<vmem>>) target_semaphore(%run_scoped3A_207 : memref<!tpu.dma_semaphore, #tpu.memory_space<semaphore_mem>>)
        %dma_wait3A_214 = arith.constant 0 : i32
        %dma_wait3A_215 = tpu.memref_slice %arg2[%add3A_31, %run_scoped3A_51, %add3A_49, %dma_wait3A_214] : memref<32x2x512x512xf32, #tpu.memory_space<hbm>> -> memref<1x1x16x512xf32, #tpu.memory_space<hbm>>
        %dma_wait3A_216 = tpu.memref_squeeze %dma_wait3A_215 : memref<1x1x16x512xf32, #tpu.memory_space<hbm>> -> memref<16x512xf32, #tpu.memory_space<hbm>>
        %dma_wait3A_217 = arith.constant 0 : i32
        %dma_wait3A_218 = tpu.memref_slice %arg2[%add3A_31, %run_scoped3A_51, %add3A_49, %dma_wait3A_217] : memref<32x2x512x512xf32, #tpu.memory_space<hbm>> -> memref<1x1x16x512xf32, #tpu.memory_space<hbm>>
        %dma_wait3A_219 = tpu.memref_squeeze %dma_wait3A_218 : memref<1x1x16x512xf32, #tpu.memory_space<hbm>> -> memref<16x512xf32, #tpu.memory_space<hbm>>
        tpu.wait_dma2 semaphore(%run_scoped3A_207 : memref<!tpu.dma_semaphore, #tpu.memory_space<semaphore_mem>>) src(%dma_wait3A_219 : memref<16x512xf32, #tpu.memory_space<hbm>>) dst(%arg5 : memref<16x512xf32, #tpu.memory_space<vmem>>)
        tpu.yield
      }) : () -> ()
      %add3A_52 = arith.constant 16 : i32
      %add3A_53 = arith.addi %mul3A_2, %add3A_52 : i32
      %scan3A_54 = arith.constant 0 : i32
      %scan3A_55 = arith.constant 0 : i32
      %scan3A_56 = arith.constant 16 : i32
      %scan3A_57 = arith.addi %scan3A_55, %scan3A_56 : i32
      %scan3A_58 = arith.constant 1 : i32
      scf.for %scan3A_207 = %scan3A_55 to %scan3A_57 step %scan3A_58  : i32 {
        %add3A_208 = arith.addi %add3A_53, %scan3A_207 : i32
        %convert_element_type3A_209 = arith.sitofp %add3A_208 : i32 to f32
        %mul3A_210 = arith.constant 512 : i32
        %mul3A_211 = arith.muli %scan3A_207, %mul3A_210 : i32
        %scan3A_212 = arith.constant 0 : i32
        %scan3A_213 = arith.constant 0 : i32
        %scan3A_214 = arith.constant 8 : i32
        %scan3A_215 = arith.addi %scan3A_213, %scan3A_214 : i32
        %scan3A_216 = arith.constant 1 : i32
        scf.for %scan3A_218 = %scan3A_213 to %scan3A_215 step %scan3A_216  : i32 {
          %mul3A_219 = arith.constant 64 : i32
          %mul3A_220 = arith.muli %scan3A_218, %mul3A_219 : i32
          %add3A_221 = arith.constant 0 : i32
          %add3A_222 = arith.addi %mul3A_220, %add3A_221 : i32
          %add3A_223 = arith.addi %mul3A_211, %add3A_222 : i32
          %get3A = arith.index_cast %scan3A_207 : i32 to index
          %get3A_224 = arith.index_cast %add3A_222 : i32 to index
          %get3A_225 = tpu.vector_load %arg4[%get3A, %get3A_224] {strides = array<i32>} : memref<16x512xf32, #tpu.memory_space<vmem>>, vector<1x16xf32>,
          %get3A_226 = vector.shape_cast %get3A_225 : vector<1x16xf32> to vector<16xf32>
          %get3A_227 = arith.index_cast %scan3A_207 : i32 to index
          %get3A_228 = arith.index_cast %add3A_222 : i32 to index
          %get3A_229 = tpu.vector_load %arg5[%get3A_227, %get3A_228] {strides = array<i32>} : memref<16x512xf32, #tpu.memory_space<vmem>>, vector<1x16xf32>,
          %get3A_230 = vector.shape_cast %get3A_229 : vector<1x16xf32> to vector<16xf32>
          %convert_element_type3A_231 = arith.sitofp %add3A_222 : i32 to f32
          %add3A_232 = vector.broadcast %convert_element_type3A_231 : f32 to vector<16xf32>
          %add3A_233 = arith.addf %convert_element_type3A, %add3A_232 : vector<16xf32>
          %add3A_234 = arith.addf %add3A_233, %get3A_226 : vector<16xf32>
          %add3A_235 = vector.broadcast %convert_element_type3A_209 : f32 to vector<16xf32>
          %add3A_236 = arith.addf %add3A_235, %get3A_230 : vector<16xf32>
          %ge3A = arith.cmpf oge, %add3A_234, %broadcast_in_dim3A_3 : vector<16xf32>
          %lt3A = arith.cmpf olt, %add3A_234, %broadcast_in_dim3A_7 : vector<16xf32>
          %and3A = arith.andi %ge3A, %lt3A : vector<16xi1>
          %ge3A_237 = arith.cmpf oge, %add3A_236, %broadcast_in_dim3A_3 : vector<16xf32>
          %and3A_238 = arith.andi %and3A, %ge3A_237 : vector<16xi1>
          %lt3A_239 = arith.cmpf olt, %add3A_236, %broadcast_in_dim3A_9 : vector<16xf32>
          %and3A_240 = arith.andi %and3A_238, %lt3A_239 : vector<16xi1>
          %convert_element_type3A_241 = arith.fptosi %add3A_234 : vector<16xf32> to vector<16xi32>
          %convert_element_type3A_242 = arith.fptosi %add3A_236 : vector<16xf32> to vector<16xi32>
          %mul3A_243 = arith.constant 512 : i32
          %mul3A_244 = vector.broadcast %mul3A_243 : i32 to vector<16xi32>
          %mul3A_245 = arith.muli %convert_element_type3A_242, %mul3A_244 : vector<16xi32>
          %add3A_246 = arith.addi %mul3A_245, %convert_element_type3A_241 : vector<16xi32>
          %and3A_247 = arith.andi %add3A_246, %broadcast_in_dim3A_11 : vector<16xi32>
          %swap3A = arith.index_cast %add3A_223 : i32 to index
          %swap3A_248 = tpu.vector_load %arg13[%swap3A] {strides = array<i32>} : memref<8192xi32, #tpu.memory_space<vmem>>, vector<16xi32>,
          %swap3A_249 = vector.shape_cast %swap3A_248 : vector<16xi32> to vector<16xi32>
          %swap3A_250 = vector.shape_cast %and3A_247 : vector<16xi32> to vector<16xi32>
          tpu.vector_store %arg13[%swap3A], %swap3A_250 {strides = array<i32>} : memref<8192xi32, #tpu.memory_space<vmem>>, vector<16xi32>,
          %neg3A = arith.constant 0.000000e+00 : f32
          %neg3A_251 = vector.broadcast %neg3A : f32 to vector<16xf32>
          %neg3A_252 = arith.subf %neg3A_251, %get3A_226 : vector<16xf32>
          %select_n3A = arith.select %and3A_240, %neg3A_252, %broadcast_in_dim3A_3 : vector<16xi1>, vector<16xf32>
          %swap3A_253 = arith.index_cast %add3A_223 : i32 to index
          %swap3A_254 = tpu.vector_load %arg10[%swap3A_253] {strides = array<i32>} : memref<8192xf32, #tpu.memory_space<vmem>>, vector<16xf32>,
          %swap3A_255 = vector.shape_cast %swap3A_254 : vector<16xf32> to vector<16xf32>
          %swap3A_256 = vector.shape_cast %select_n3A : vector<16xf32> to vector<16xf32>
          tpu.vector_store %arg10[%swap3A_253], %swap3A_256 {strides = array<i32>} : memref<8192xf32, #tpu.memory_space<vmem>>, vector<16xf32>,
          %neg3A_257 = arith.constant 0.000000e+00 : f32
          %neg3A_258 = vector.broadcast %neg3A_257 : f32 to vector<16xf32>
          %neg3A_259 = arith.subf %neg3A_258, %get3A_230 : vector<16xf32>
          %select_n3A_260 = arith.select %and3A_240, %neg3A_259, %broadcast_in_dim3A_3 : vector<16xi1>, vector<16xf32>
          %swap3A_261 = arith.index_cast %add3A_223 : i32 to index
          %swap3A_262 = tpu.vector_load %arg11[%swap3A_261] {strides = array<i32>} : memref<8192xf32, #tpu.memory_space<vmem>>, vector<16xf32>,
          %swap3A_263 = vector.shape_cast %swap3A_262 : vector<16xf32> to vector<16xf32>
          %swap3A_264 = vector.shape_cast %select_n3A_260 : vector<16xf32> to vector<16xf32>
          tpu.vector_store %arg11[%swap3A_261], %swap3A_264 {strides = array<i32>} : memref<8192xf32, #tpu.memory_space<vmem>>, vector<16xf32>,
          %select_n3A_265 = arith.select %and3A_240, %broadcast_in_dim3A_5, %broadcast_in_dim3A_3 : vector<16xi1>, vector<16xf32>
          %swap3A_266 = arith.index_cast %add3A_223 : i32 to index
          %swap3A_267 = tpu.vector_load %arg12[%swap3A_266] {strides = array<i32>} : memref<8192xf32, #tpu.memory_space<vmem>>, vector<16xf32>,
          %swap3A_268 = vector.shape_cast %swap3A_267 : vector<16xf32> to vector<16xf32>
          %swap3A_269 = vector.shape_cast %select_n3A_265 : vector<16xf32> to vector<16xf32>
          tpu.vector_store %arg12[%swap3A_266], %swap3A_269 {strides = array<i32>} : memref<8192xf32, #tpu.memory_space<vmem>>, vector<16xf32>,
          %mul3A_270 = arith.constant 64 : i32
          %mul3A_271 = arith.muli %scan3A_218, %mul3A_270 : i32
          %add3A_272 = arith.constant 16 : i32
          %add3A_273 = arith.addi %mul3A_271, %add3A_272 : i32
          %add3A_274 = arith.addi %mul3A_211, %add3A_273 : i32
          %get3A_275 = arith.index_cast %scan3A_207 : i32 to index
          %get3A_276 = arith.index_cast %add3A_273 : i32 to index
          %get3A_277 = tpu.vector_load %arg4[%get3A_275, %get3A_276] {strides = array<i32>} : memref<16x512xf32, #tpu.memory_space<vmem>>, vector<1x16xf32>,
          %get3A_278 = vector.shape_cast %get3A_277 : vector<1x16xf32> to vector<16xf32>
          %get3A_279 = arith.index_cast %scan3A_207 : i32 to index
          %get3A_280 = arith.index_cast %add3A_273 : i32 to index
          %get3A_281 = tpu.vector_load %arg5[%get3A_279, %get3A_280] {strides = array<i32>} : memref<16x512xf32, #tpu.memory_space<vmem>>, vector<1x16xf32>,
          %get3A_282 = vector.shape_cast %get3A_281 : vector<1x16xf32> to vector<16xf32>
          %convert_element_type3A_283 = arith.sitofp %add3A_273 : i32 to f32
          %add3A_284 = vector.broadcast %convert_element_type3A_283 : f32 to vector<16xf32>
          %add3A_285 = arith.addf %convert_element_type3A, %add3A_284 : vector<16xf32>
          %add3A_286 = arith.addf %add3A_285, %get3A_278 : vector<16xf32>
          %add3A_287 = vector.broadcast %convert_element_type3A_209 : f32 to vector<16xf32>
          %add3A_288 = arith.addf %add3A_287, %get3A_282 : vector<16xf32>
          %ge3A_289 = arith.cmpf oge, %add3A_286, %broadcast_in_dim3A_3 : vector<16xf32>
          %lt3A_290 = arith.cmpf olt, %add3A_286, %broadcast_in_dim3A_7 : vector<16xf32>
          %and3A_291 = arith.andi %ge3A_289, %lt3A_290 : vector<16xi1>
          %ge3A_292 = arith.cmpf oge, %add3A_288, %broadcast_in_dim3A_3 : vector<16xf32>
          %and3A_293 = arith.andi %and3A_291, %ge3A_292 : vector<16xi1>
          %lt3A_294 = arith.cmpf olt, %add3A_288, %broadcast_in_dim3A_9 : vector<16xf32>
          %and3A_295 = arith.andi %and3A_293, %lt3A_294 : vector<16xi1>
          %convert_element_type3A_296 = arith.fptosi %add3A_286 : vector<16xf32> to vector<16xi32>
          %convert_element_type3A_297 = arith.fptosi %add3A_288 : vector<16xf32> to vector<16xi32>
          %mul3A_298 = arith.constant 512 : i32
          %mul3A_299 = vector.broadcast %mul3A_298 : i32 to vector<16xi32>
          %mul3A_300 = arith.muli %convert_element_type3A_297, %mul3A_299 : vector<16xi32>
          %add3A_301 = arith.addi %mul3A_300, %convert_element_type3A_296 : vector<16xi32>
          %and3A_302 = arith.andi %add3A_301, %broadcast_in_dim3A_11 : vector<16xi32>
          %swap3A_303 = arith.index_cast %add3A_274 : i32 to index
          %swap3A_304 = tpu.vector_load %arg13[%swap3A_303] {strides = array<i32>} : memref<8192xi32, #tpu.memory_space<vmem>>, vector<16xi32>,
          %swap3A_305 = vector.shape_cast %swap3A_304 : vector<16xi32> to vector<16xi32>
          %swap3A_306 = vector.shape_cast %and3A_302 : vector<16xi32> to vector<16xi32>
          tpu.vector_store %arg13[%swap3A_303], %swap3A_306 {strides = array<i32>} : memref<8192xi32, #tpu.memory_space<vmem>>, vector<16xi32>,
          %neg3A_307 = arith.constant 0.000000e+00 : f32
          %neg3A_308 = vector.broadcast %neg3A_307 : f32 to vector<16xf32>
          %neg3A_309 = arith.subf %neg3A_308, %get3A_278 : vector<16xf32>
          %select_n3A_310 = arith.select %and3A_295, %neg3A_309, %broadcast_in_dim3A_3 : vector<16xi1>, vector<16xf32>
          %swap3A_311 = arith.index_cast %add3A_274 : i32 to index
          %swap3A_312 = tpu.vector_load %arg10[%swap3A_311] {strides = array<i32>} : memref<8192xf32, #tpu.memory_space<vmem>>, vector<16xf32>,
          %swap3A_313 = vector.shape_cast %swap3A_312 : vector<16xf32> to vector<16xf32>
          %swap3A_314 = vector.shape_cast %select_n3A_310 : vector<16xf32> to vector<16xf32>
          tpu.vector_store %arg10[%swap3A_311], %swap3A_314 {strides = array<i32>} : memref<8192xf32, #tpu.memory_space<vmem>>, vector<16xf32>,
          %neg3A_315 = arith.constant 0.000000e+00 : f32
          %neg3A_316 = vector.broadcast %neg3A_315 : f32 to vector<16xf32>
          %neg3A_317 = arith.subf %neg3A_316, %get3A_282 : vector<16xf32>
          %select_n3A_318 = arith.select %and3A_295, %neg3A_317, %broadcast_in_dim3A_3 : vector<16xi1>, vector<16xf32>
          %swap3A_319 = arith.index_cast %add3A_274 : i32 to index
          %swap3A_320 = tpu.vector_load %arg11[%swap3A_319] {strides = array<i32>} : memref<8192xf32, #tpu.memory_space<vmem>>, vector<16xf32>,
          %swap3A_321 = vector.shape_cast %swap3A_320 : vector<16xf32> to vector<16xf32>
          %swap3A_322 = vector.shape_cast %select_n3A_318 : vector<16xf32> to vector<16xf32>
          tpu.vector_store %arg11[%swap3A_319], %swap3A_322 {strides = array<i32>} : memref<8192xf32, #tpu.memory_space<vmem>>, vector<16xf32>,
          %select_n3A_323 = arith.select %and3A_295, %broadcast_in_dim3A_5, %broadcast_in_dim3A_3 : vector<16xi1>, vector<16xf32>
          %swap3A_324 = arith.index_cast %add3A_274 : i32 to index
          %swap3A_325 = tpu.vector_load %arg12[%swap3A_324] {strides = array<i32>} : memref<8192xf32, #tpu.memory_space<vmem>>, vector<16xf32>,
          %swap3A_326 = vector.shape_cast %swap3A_325 : vector<16xf32> to vector<16xf32>
          %swap3A_327 = vector.shape_cast %select_n3A_323 : vector<16xf32> to vector<16xf32>
          tpu.vector_store %arg12[%swap3A_324], %swap3A_327 {strides = array<i32>} : memref<8192xf32, #tpu.memory_space<vmem>>, vector<16xf32>,
          %mul3A_328 = arith.constant 64 : i32
          %mul3A_329 = arith.muli %scan3A_218, %mul3A_328 : i32
          %add3A_330 = arith.constant 32 : i32
          %add3A_331 = arith.addi %mul3A_329, %add3A_330 : i32
          %add3A_332 = arith.addi %mul3A_211, %add3A_331 : i32
          %get3A_333 = arith.index_cast %scan3A_207 : i32 to index
          %get3A_334 = arith.index_cast %add3A_331 : i32 to index
          %get3A_335 = tpu.vector_load %arg4[%get3A_333, %get3A_334] {strides = array<i32>} : memref<16x512xf32, #tpu.memory_space<vmem>>, vector<1x16xf32>,
          %get3A_336 = vector.shape_cast %get3A_335 : vector<1x16xf32> to vector<16xf32>
          %get3A_337 = arith.index_cast %scan3A_207 : i32 to index
          %get3A_338 = arith.index_cast %add3A_331 : i32 to index
          %get3A_339 = tpu.vector_load %arg5[%get3A_337, %get3A_338] {strides = array<i32>} : memref<16x512xf32, #tpu.memory_space<vmem>>, vector<1x16xf32>,
          %get3A_340 = vector.shape_cast %get3A_339 : vector<1x16xf32> to vector<16xf32>
          %convert_element_type3A_341 = arith.sitofp %add3A_331 : i32 to f32
          %add3A_342 = vector.broadcast %convert_element_type3A_341 : f32 to vector<16xf32>
          %add3A_343 = arith.addf %convert_element_type3A, %add3A_342 : vector<16xf32>
          %add3A_344 = arith.addf %add3A_343, %get3A_336 : vector<16xf32>
          %add3A_345 = vector.broadcast %convert_element_type3A_209 : f32 to vector<16xf32>
          %add3A_346 = arith.addf %add3A_345, %get3A_340 : vector<16xf32>
          %ge3A_347 = arith.cmpf oge, %add3A_344, %broadcast_in_dim3A_3 : vector<16xf32>
          %lt3A_348 = arith.cmpf olt, %add3A_344, %broadcast_in_dim3A_7 : vector<16xf32>
          %and3A_349 = arith.andi %ge3A_347, %lt3A_348 : vector<16xi1>
          %ge3A_350 = arith.cmpf oge, %add3A_346, %broadcast_in_dim3A_3 : vector<16xf32>
          %and3A_351 = arith.andi %and3A_349, %ge3A_350 : vector<16xi1>
          %lt3A_352 = arith.cmpf olt, %add3A_346, %broadcast_in_dim3A_9 : vector<16xf32>
          %and3A_353 = arith.andi %and3A_351, %lt3A_352 : vector<16xi1>
          %convert_element_type3A_354 = arith.fptosi %add3A_344 : vector<16xf32> to vector<16xi32>
          %convert_element_type3A_355 = arith.fptosi %add3A_346 : vector<16xf32> to vector<16xi32>
          %mul3A_356 = arith.constant 512 : i32
          %mul3A_357 = vector.broadcast %mul3A_356 : i32 to vector<16xi32>
          %mul3A_358 = arith.muli %convert_element_type3A_355, %mul3A_357 : vector<16xi32>
          %add3A_359 = arith.addi %mul3A_358, %convert_element_type3A_354 : vector<16xi32>
          %and3A_360 = arith.andi %add3A_359, %broadcast_in_dim3A_11 : vector<16xi32>
          %swap3A_361 = arith.index_cast %add3A_332 : i32 to index
          %swap3A_362 = tpu.vector_load %arg13[%swap3A_361] {strides = array<i32>} : memref<8192xi32, #tpu.memory_space<vmem>>, vector<16xi32>,
          %swap3A_363 = vector.shape_cast %swap3A_362 : vector<16xi32> to vector<16xi32>
          %swap3A_364 = vector.shape_cast %and3A_360 : vector<16xi32> to vector<16xi32>
          tpu.vector_store %arg13[%swap3A_361], %swap3A_364 {strides = array<i32>} : memref<8192xi32, #tpu.memory_space<vmem>>, vector<16xi32>,
          %neg3A_365 = arith.constant 0.000000e+00 : f32
          %neg3A_366 = vector.broadcast %neg3A_365 : f32 to vector<16xf32>
          %neg3A_367 = arith.subf %neg3A_366, %get3A_336 : vector<16xf32>
          %select_n3A_368 = arith.select %and3A_353, %neg3A_367, %broadcast_in_dim3A_3 : vector<16xi1>, vector<16xf32>
          %swap3A_369 = arith.index_cast %add3A_332 : i32 to index
          %swap3A_370 = tpu.vector_load %arg10[%swap3A_369] {strides = array<i32>} : memref<8192xf32, #tpu.memory_space<vmem>>, vector<16xf32>,
          %swap3A_371 = vector.shape_cast %swap3A_370 : vector<16xf32> to vector<16xf32>
          %swap3A_372 = vector.shape_cast %select_n3A_368 : vector<16xf32> to vector<16xf32>
          tpu.vector_store %arg10[%swap3A_369], %swap3A_372 {strides = array<i32>} : memref<8192xf32, #tpu.memory_space<vmem>>, vector<16xf32>,
          %neg3A_373 = arith.constant 0.000000e+00 : f32
          %neg3A_374 = vector.broadcast %neg3A_373 : f32 to vector<16xf32>
          %neg3A_375 = arith.subf %neg3A_374, %get3A_340 : vector<16xf32>
          %select_n3A_376 = arith.select %and3A_353, %neg3A_375, %broadcast_in_dim3A_3 : vector<16xi1>, vector<16xf32>
          %swap3A_377 = arith.index_cast %add3A_332 : i32 to index
          %swap3A_378 = tpu.vector_load %arg11[%swap3A_377] {strides = array<i32>} : memref<8192xf32, #tpu.memory_space<vmem>>, vector<16xf32>,
          %swap3A_379 = vector.shape_cast %swap3A_378 : vector<16xf32> to vector<16xf32>
          %swap3A_380 = vector.shape_cast %select_n3A_376 : vector<16xf32> to vector<16xf32>
          tpu.vector_store %arg11[%swap3A_377], %swap3A_380 {strides = array<i32>} : memref<8192xf32, #tpu.memory_space<vmem>>, vector<16xf32>,
          %select_n3A_381 = arith.select %and3A_353, %broadcast_in_dim3A_5, %broadcast_in_dim3A_3 : vector<16xi1>, vector<16xf32>
          %swap3A_382 = arith.index_cast %add3A_332 : i32 to index
          %swap3A_383 = tpu.vector_load %arg12[%swap3A_382] {strides = array<i32>} : memref<8192xf32, #tpu.memory_space<vmem>>, vector<16xf32>,
          %swap3A_384 = vector.shape_cast %swap3A_383 : vector<16xf32> to vector<16xf32>
          %swap3A_385 = vector.shape_cast %select_n3A_381 : vector<16xf32> to vector<16xf32>
          tpu.vector_store %arg12[%swap3A_382], %swap3A_385 {strides = array<i32>} : memref<8192xf32, #tpu.memory_space<vmem>>, vector<16xf32>,
          %mul3A_386 = arith.constant 64 : i32
          %mul3A_387 = arith.muli %scan3A_218, %mul3A_386 : i32
          %add3A_388 = arith.constant 48 : i32
          %add3A_389 = arith.addi %mul3A_387, %add3A_388 : i32
          %add3A_390 = arith.addi %mul3A_211, %add3A_389 : i32
          %get3A_391 = arith.index_cast %scan3A_207 : i32 to index
          %get3A_392 = arith.index_cast %add3A_389 : i32 to index
          %get3A_393 = tpu.vector_load %arg4[%get3A_391, %get3A_392] {strides = array<i32>} : memref<16x512xf32, #tpu.memory_space<vmem>>, vector<1x16xf32>,
          %get3A_394 = vector.shape_cast %get3A_393 : vector<1x16xf32> to vector<16xf32>
          %get3A_395 = arith.index_cast %scan3A_207 : i32 to index
          %get3A_396 = arith.index_cast %add3A_389 : i32 to index
          %get3A_397 = tpu.vector_load %arg5[%get3A_395, %get3A_396] {strides = array<i32>} : memref<16x512xf32, #tpu.memory_space<vmem>>, vector<1x16xf32>,
          %get3A_398 = vector.shape_cast %get3A_397 : vector<1x16xf32> to vector<16xf32>
          %convert_element_type3A_399 = arith.sitofp %add3A_389 : i32 to f32
          %add3A_400 = vector.broadcast %convert_element_type3A_399 : f32 to vector<16xf32>
          %add3A_401 = arith.addf %convert_element_type3A, %add3A_400 : vector<16xf32>
          %add3A_402 = arith.addf %add3A_401, %get3A_394 : vector<16xf32>
          %add3A_403 = vector.broadcast %convert_element_type3A_209 : f32 to vector<16xf32>
          %add3A_404 = arith.addf %add3A_403, %get3A_398 : vector<16xf32>
          %ge3A_405 = arith.cmpf oge, %add3A_402, %broadcast_in_dim3A_3 : vector<16xf32>
          %lt3A_406 = arith.cmpf olt, %add3A_402, %broadcast_in_dim3A_7 : vector<16xf32>
          %and3A_407 = arith.andi %ge3A_405, %lt3A_406 : vector<16xi1>
          %ge3A_408 = arith.cmpf oge, %add3A_404, %broadcast_in_dim3A_3 : vector<16xf32>
          %and3A_409 = arith.andi %and3A_407, %ge3A_408 : vector<16xi1>
          %lt3A_410 = arith.cmpf olt, %add3A_404, %broadcast_in_dim3A_9 : vector<16xf32>
          %and3A_411 = arith.andi %and3A_409, %lt3A_410 : vector<16xi1>
          %convert_element_type3A_412 = arith.fptosi %add3A_402 : vector<16xf32> to vector<16xi32>
          %convert_element_type3A_413 = arith.fptosi %add3A_404 : vector<16xf32> to vector<16xi32>
          %mul3A_414 = arith.constant 512 : i32
          %mul3A_415 = vector.broadcast %mul3A_414 : i32 to vector<16xi32>
          %mul3A_416 = arith.muli %convert_element_type3A_413, %mul3A_415 : vector<16xi32>
          %add3A_417 = arith.addi %mul3A_416, %convert_element_type3A_412 : vector<16xi32>
          %and3A_418 = arith.andi %add3A_417, %broadcast_in_dim3A_11 : vector<16xi32>
          %swap3A_419 = arith.index_cast %add3A_390 : i32 to index
          %swap3A_420 = tpu.vector_load %arg13[%swap3A_419] {strides = array<i32>} : memref<8192xi32, #tpu.memory_space<vmem>>, vector<16xi32>,
          %swap3A_421 = vector.shape_cast %swap3A_420 : vector<16xi32> to vector<16xi32>
          %swap3A_422 = vector.shape_cast %and3A_418 : vector<16xi32> to vector<16xi32>
          tpu.vector_store %arg13[%swap3A_419], %swap3A_422 {strides = array<i32>} : memref<8192xi32, #tpu.memory_space<vmem>>, vector<16xi32>,
          %neg3A_423 = arith.constant 0.000000e+00 : f32
          %neg3A_424 = vector.broadcast %neg3A_423 : f32 to vector<16xf32>
          %neg3A_425 = arith.subf %neg3A_424, %get3A_394 : vector<16xf32>
          %select_n3A_426 = arith.select %and3A_411, %neg3A_425, %broadcast_in_dim3A_3 : vector<16xi1>, vector<16xf32>
          %swap3A_427 = arith.index_cast %add3A_390 : i32 to index
          %swap3A_428 = tpu.vector_load %arg10[%swap3A_427] {strides = array<i32>} : memref<8192xf32, #tpu.memory_space<vmem>>, vector<16xf32>,
          %swap3A_429 = vector.shape_cast %swap3A_428 : vector<16xf32> to vector<16xf32>
          %swap3A_430 = vector.shape_cast %select_n3A_426 : vector<16xf32> to vector<16xf32>
          tpu.vector_store %arg10[%swap3A_427], %swap3A_430 {strides = array<i32>} : memref<8192xf32, #tpu.memory_space<vmem>>, vector<16xf32>,
          %neg3A_431 = arith.constant 0.000000e+00 : f32
          %neg3A_432 = vector.broadcast %neg3A_431 : f32 to vector<16xf32>
          %neg3A_433 = arith.subf %neg3A_432, %get3A_398 : vector<16xf32>
          %select_n3A_434 = arith.select %and3A_411, %neg3A_433, %broadcast_in_dim3A_3 : vector<16xi1>, vector<16xf32>
          %swap3A_435 = arith.index_cast %add3A_390 : i32 to index
          %swap3A_436 = tpu.vector_load %arg11[%swap3A_435] {strides = array<i32>} : memref<8192xf32, #tpu.memory_space<vmem>>, vector<16xf32>,
          %swap3A_437 = vector.shape_cast %swap3A_436 : vector<16xf32> to vector<16xf32>
          %swap3A_438 = vector.shape_cast %select_n3A_434 : vector<16xf32> to vector<16xf32>
          tpu.vector_store %arg11[%swap3A_435], %swap3A_438 {strides = array<i32>} : memref<8192xf32, #tpu.memory_space<vmem>>, vector<16xf32>,
          %select_n3A_439 = arith.select %and3A_411, %broadcast_in_dim3A_5, %broadcast_in_dim3A_3 : vector<16xi1>, vector<16xf32>
          %swap3A_440 = arith.index_cast %add3A_390 : i32 to index
          %swap3A_441 = tpu.vector_load %arg12[%swap3A_440] {strides = array<i32>} : memref<8192xf32, #tpu.memory_space<vmem>>, vector<16xf32>,
          %swap3A_442 = vector.shape_cast %swap3A_441 : vector<16xf32> to vector<16xf32>
          %swap3A_443 = vector.shape_cast %select_n3A_439 : vector<16xf32> to vector<16xf32>
          tpu.vector_store %arg12[%swap3A_440], %swap3A_443 {strides = array<i32>} : memref<8192xf32, #tpu.memory_space<vmem>>, vector<16xf32>,
        }
        %scan3A_217 = arith.constant 8 : i32
      }
      %scan3A_59 = arith.constant 16 : i32
      %dma_start3A_60 = arith.constant 0 : i32
      %dma_start3A_61 = tpu.memref_slice %arg14[%dma_start3A_60] : memref<262144xf32, #tpu.memory_space<vmem_shared>> -> memref<262144xf32, #tpu.memory_space<vmem_shared>>
      tpu.enqueue_indirect_dma source(%arg10 : memref<8192xf32, #tpu.memory_space<vmem>>) target(%dma_start3A_61 : memref<262144xf32, #tpu.memory_space<vmem_shared>>) offsets(%arg13 : memref<8192xi32, #tpu.memory_space<vmem>>) semaphore(%arg20 : memref<!tpu.dma_semaphore, #tpu.memory_space<semaphore_mem>>) {add = true}
      %dma_start3A_62 = arith.constant 0 : i32
      %dma_start3A_63 = tpu.memref_slice %arg15[%dma_start3A_62] : memref<262144xf32, #tpu.memory_space<vmem_shared>> -> memref<262144xf32, #tpu.memory_space<vmem_shared>>
      tpu.enqueue_indirect_dma source(%arg11 : memref<8192xf32, #tpu.memory_space<vmem>>) target(%dma_start3A_63 : memref<262144xf32, #tpu.memory_space<vmem_shared>>) offsets(%arg13 : memref<8192xi32, #tpu.memory_space<vmem>>) semaphore(%arg21 : memref<!tpu.dma_semaphore, #tpu.memory_space<semaphore_mem>>) {add = true}
      %dma_start3A_64 = arith.constant 0 : i32
      %dma_start3A_65 = tpu.memref_slice %arg16[%dma_start3A_64] : memref<262144xf32, #tpu.memory_space<vmem_shared>> -> memref<262144xf32, #tpu.memory_space<vmem_shared>>
      tpu.enqueue_indirect_dma source(%arg12 : memref<8192xf32, #tpu.memory_space<vmem>>) target(%dma_start3A_65 : memref<262144xf32, #tpu.memory_space<vmem_shared>>) offsets(%arg13 : memref<8192xi32, #tpu.memory_space<vmem>>) semaphore(%arg22 : memref<!tpu.dma_semaphore, #tpu.memory_space<semaphore_mem>>) {add = true}
      %dma_wait3A = arith.constant 0 : i32
      %dma_wait3A_66 = tpu.memref_slice %arg14[%dma_wait3A] : memref<262144xf32, #tpu.memory_space<vmem_shared>> -> memref<262144xf32, #tpu.memory_space<vmem_shared>>
      tpu.wait_indirect_dma semaphore(%arg17 : memref<!tpu.dma_semaphore, #tpu.memory_space<semaphore_mem>>) src(%arg6 : memref<8192xf32, #tpu.memory_space<vmem>>) dst(%dma_wait3A_66 : memref<262144xf32, #tpu.memory_space<vmem_shared>>)
      %dma_wait3A_67 = arith.constant 0 : i32
      %dma_wait3A_68 = tpu.memref_slice %arg15[%dma_wait3A_67] : memref<262144xf32, #tpu.memory_space<vmem_shared>> -> memref<262144xf32, #tpu.memory_space<vmem_shared>>
      tpu.wait_indirect_dma semaphore(%arg18 : memref<!tpu.dma_semaphore, #tpu.memory_space<semaphore_mem>>) src(%arg7 : memref<8192xf32, #tpu.memory_space<vmem>>) dst(%dma_wait3A_68 : memref<262144xf32, #tpu.memory_space<vmem_shared>>)
      %dma_wait3A_69 = arith.constant 0 : i32
      %dma_wait3A_70 = tpu.memref_slice %arg16[%dma_wait3A_69] : memref<262144xf32, #tpu.memory_space<vmem_shared>> -> memref<262144xf32, #tpu.memory_space<vmem_shared>>
      tpu.wait_indirect_dma semaphore(%arg19 : memref<!tpu.dma_semaphore, #tpu.memory_space<semaphore_mem>>) src(%arg8 : memref<8192xf32, #tpu.memory_space<vmem>>) dst(%dma_wait3A_70 : memref<262144xf32, #tpu.memory_space<vmem_shared>>)
      %dma_wait3A_71 = arith.constant 0 : i32
      %dma_wait3A_72 = tpu.memref_slice %arg14[%dma_wait3A_71] : memref<262144xf32, #tpu.memory_space<vmem_shared>> -> memref<262144xf32, #tpu.memory_space<vmem_shared>>
      tpu.wait_indirect_dma semaphore(%arg20 : memref<!tpu.dma_semaphore, #tpu.memory_space<semaphore_mem>>) src(%arg10 : memref<8192xf32, #tpu.memory_space<vmem>>) dst(%dma_wait3A_72 : memref<262144xf32, #tpu.memory_space<vmem_shared>>)
      %dma_wait3A_73 = arith.constant 0 : i32
      %dma_wait3A_74 = tpu.memref_slice %arg15[%dma_wait3A_73] : memref<262144xf32, #tpu.memory_space<vmem_shared>> -> memref<262144xf32, #tpu.memory_space<vmem_shared>>
      tpu.wait_indirect_dma semaphore(%arg21 : memref<!tpu.dma_semaphore, #tpu.memory_space<semaphore_mem>>) src(%arg11 : memref<8192xf32, #tpu.memory_space<vmem>>) dst(%dma_wait3A_74 : memref<262144xf32, #tpu.memory_space<vmem_shared>>)
      %dma_wait3A_75 = arith.constant 0 : i32
      %dma_wait3A_76 = tpu.memref_slice %arg16[%dma_wait3A_75] : memref<262144xf32, #tpu.memory_space<vmem_shared>> -> memref<262144xf32, #tpu.memory_space<vmem_shared>>
      tpu.wait_indirect_dma semaphore(%arg22 : memref<!tpu.dma_semaphore, #tpu.memory_space<semaphore_mem>>) src(%arg12 : memref<8192xf32, #tpu.memory_space<vmem>>) dst(%dma_wait3A_76 : memref<262144xf32, #tpu.memory_space<vmem_shared>>)
      %barrier3A_77 = arith.constant 0 : index
      tpu.barrier barrier_id(%barrier3A_77)
      %add3A_78 = arith.constant 0 : i32
      %add3A_79 = arith.addi %mul3A_0, %add3A_78 : i32
      %dma_start3A_80 = tpu.memref_slice %arg14[%add3A_79] : memref<262144xf32, #tpu.memory_space<vmem_shared>> -> memref<8192xf32, #tpu.memory_space<vmem_shared>>
      %dma_start3A_81 = tpu.memref_slice %arg14[%add3A_79] : memref<262144xf32, #tpu.memory_space<vmem_shared>> -> memref<8192xf32, #tpu.memory_space<vmem_shared>>
      tpu.enqueue_dma source(%dma_start3A_81 : memref<8192xf32, #tpu.memory_space<vmem_shared>>) target(%arg6 : memref<8192xf32, #tpu.memory_space<vmem>>) target_semaphore(%arg17 : memref<!tpu.dma_semaphore, #tpu.memory_space<semaphore_mem>>)
      %dma_start3A_82 = tpu.memref_slice %arg15[%add3A_79] : memref<262144xf32, #tpu.memory_space<vmem_shared>> -> memref<8192xf32, #tpu.memory_space<vmem_shared>>
      %dma_start3A_83 = tpu.memref_slice %arg15[%add3A_79] : memref<262144xf32, #tpu.memory_space<vmem_shared>> -> memref<8192xf32, #tpu.memory_space<vmem_shared>>
      tpu.enqueue_dma source(%dma_start3A_83 : memref<8192xf32, #tpu.memory_space<vmem_shared>>) target(%arg7 : memref<8192xf32, #tpu.memory_space<vmem>>) target_semaphore(%arg18 : memref<!tpu.dma_semaphore, #tpu.memory_space<semaphore_mem>>)
      %dma_start3A_84 = tpu.memref_slice %arg16[%add3A_79] : memref<262144xf32, #tpu.memory_space<vmem_shared>> -> memref<8192xf32, #tpu.memory_space<vmem_shared>>
      %dma_start3A_85 = tpu.memref_slice %arg16[%add3A_79] : memref<262144xf32, #tpu.memory_space<vmem_shared>> -> memref<8192xf32, #tpu.memory_space<vmem_shared>>
      tpu.enqueue_dma source(%dma_start3A_85 : memref<8192xf32, #tpu.memory_space<vmem_shared>>) target(%arg8 : memref<8192xf32, #tpu.memory_space<vmem>>) target_semaphore(%arg19 : memref<!tpu.dma_semaphore, #tpu.memory_space<semaphore_mem>>)
      %add3A_86 = arith.constant 8192 : i32
      %add3A_87 = arith.addi %mul3A_0, %add3A_86 : i32
      %dma_start3A_88 = tpu.memref_slice %arg14[%add3A_87] : memref<262144xf32, #tpu.memory_space<vmem_shared>> -> memref<8192xf32, #tpu.memory_space<vmem_shared>>
      %dma_start3A_89 = tpu.memref_slice %arg14[%add3A_87] : memref<262144xf32, #tpu.memory_space<vmem_shared>> -> memref<8192xf32, #tpu.memory_space<vmem_shared>>
      tpu.enqueue_dma source(%dma_start3A_89 : memref<8192xf32, #tpu.memory_space<vmem_shared>>) target(%arg10 : memref<8192xf32, #tpu.memory_space<vmem>>) target_semaphore(%arg20 : memref<!tpu.dma_semaphore, #tpu.memory_space<semaphore_mem>>)
      %dma_start3A_90 = tpu.memref_slice %arg15[%add3A_87] : memref<262144xf32, #tpu.memory_space<vmem_shared>> -> memref<8192xf32, #tpu.memory_space<vmem_shared>>
      %dma_start3A_91 = tpu.memref_slice %arg15[%add3A_87] : memref<262144xf32, #tpu.memory_space<vmem_shared>> -> memref<8192xf32, #tpu.memory_space<vmem_shared>>
      tpu.enqueue_dma source(%dma_start3A_91 : memref<8192xf32, #tpu.memory_space<vmem_shared>>) target(%arg11 : memref<8192xf32, #tpu.memory_space<vmem>>) target_semaphore(%arg21 : memref<!tpu.dma_semaphore, #tpu.memory_space<semaphore_mem>>)
      %dma_start3A_92 = tpu.memref_slice %arg16[%add3A_87] : memref<262144xf32, #tpu.memory_space<vmem_shared>> -> memref<8192xf32, #tpu.memory_space<vmem_shared>>
      %dma_start3A_93 = tpu.memref_slice %arg16[%add3A_87] : memref<262144xf32, #tpu.memory_space<vmem_shared>> -> memref<8192xf32, #tpu.memory_space<vmem_shared>>
      tpu.enqueue_dma source(%dma_start3A_93 : memref<8192xf32, #tpu.memory_space<vmem_shared>>) target(%arg12 : memref<8192xf32, #tpu.memory_space<vmem>>) target_semaphore(%arg22 : memref<!tpu.dma_semaphore, #tpu.memory_space<semaphore_mem>>)
      %dma_wait3A_94 = tpu.memref_slice %arg14[%add3A_79] : memref<262144xf32, #tpu.memory_space<vmem_shared>> -> memref<8192xf32, #tpu.memory_space<vmem_shared>>
      %dma_wait3A_95 = tpu.memref_slice %arg14[%add3A_79] : memref<262144xf32, #tpu.memory_space<vmem_shared>> -> memref<8192xf32, #tpu.memory_space<vmem_shared>>
      tpu.wait_dma2 semaphore(%arg17 : memref<!tpu.dma_semaphore, #tpu.memory_space<semaphore_mem>>) src(%dma_wait3A_95 : memref<8192xf32, #tpu.memory_space<vmem_shared>>) dst(%arg6 : memref<8192xf32, #tpu.memory_space<vmem>>)
      %dma_wait3A_96 = tpu.memref_slice %arg15[%add3A_79] : memref<262144xf32, #tpu.memory_space<vmem_shared>> -> memref<8192xf32, #tpu.memory_space<vmem_shared>>
      %dma_wait3A_97 = tpu.memref_slice %arg15[%add3A_79] : memref<262144xf32, #tpu.memory_space<vmem_shared>> -> memref<8192xf32, #tpu.memory_space<vmem_shared>>
      tpu.wait_dma2 semaphore(%arg18 : memref<!tpu.dma_semaphore, #tpu.memory_space<semaphore_mem>>) src(%dma_wait3A_97 : memref<8192xf32, #tpu.memory_space<vmem_shared>>) dst(%arg7 : memref<8192xf32, #tpu.memory_space<vmem>>)
      %dma_wait3A_98 = tpu.memref_slice %arg16[%add3A_79] : memref<262144xf32, #tpu.memory_space<vmem_shared>> -> memref<8192xf32, #tpu.memory_space<vmem_shared>>
      %dma_wait3A_99 = tpu.memref_slice %arg16[%add3A_79] : memref<262144xf32, #tpu.memory_space<vmem_shared>> -> memref<8192xf32, #tpu.memory_space<vmem_shared>>
      tpu.wait_dma2 semaphore(%arg19 : memref<!tpu.dma_semaphore, #tpu.memory_space<semaphore_mem>>) src(%dma_wait3A_99 : memref<8192xf32, #tpu.memory_space<vmem_shared>>) dst(%arg8 : memref<8192xf32, #tpu.memory_space<vmem>>)
      %scan3A_100 = arith.constant 0 : i32
      %scan3A_101 = arith.constant 0 : i32
      %scan3A_102 = arith.constant 16 : i32
      %scan3A_103 = arith.addi %scan3A_101, %scan3A_102 : i32
      %scan3A_104 = arith.constant 1 : i32
      scf.for %scan3A_207 = %scan3A_101 to %scan3A_103 step %scan3A_104  : i32 {
        %mul3A_208 = arith.constant 512 : i32
        %mul3A_209 = arith.muli %scan3A_207, %mul3A_208 : i32
        %scan3A_210 = arith.constant 0 : i32
        %scan3A_211 = arith.constant 0 : i32
        %scan3A_212 = arith.constant 8 : i32
        %scan3A_213 = arith.addi %scan3A_211, %scan3A_212 : i32
        %scan3A_214 = arith.constant 1 : i32
        scf.for %scan3A_216 = %scan3A_211 to %scan3A_213 step %scan3A_214  : i32 {
          %mul3A_217 = arith.constant 64 : i32
          %mul3A_218 = arith.muli %scan3A_216, %mul3A_217 : i32
          %add3A_219 = arith.constant 0 : i32
          %add3A_220 = arith.addi %mul3A_218, %add3A_219 : i32
          %add3A_221 = arith.addi %mul3A_209, %add3A_220 : i32
          %get3A = arith.index_cast %add3A_221 : i32 to index
          %get3A_222 = tpu.vector_load %arg8[%get3A] {strides = array<i32>} : memref<8192xf32, #tpu.memory_space<vmem>>, vector<16xf32>,
          %get3A_223 = vector.shape_cast %get3A_222 : vector<16xf32> to vector<16xf32>
          %max3A = arith.maximumf %get3A_223, %broadcast_in_dim3A_5 : vector<16xf32>
          %div3A = arith.divf %broadcast_in_dim3A_5, %max3A : vector<16xf32>
          %get3A_224 = arith.index_cast %add3A_221 : i32 to index
          %get3A_225 = tpu.vector_load %arg6[%get3A_224] {strides = array<i32>} : memref<8192xf32, #tpu.memory_space<vmem>>, vector<16xf32>,
          %get3A_226 = vector.shape_cast %get3A_225 : vector<16xf32> to vector<16xf32>
          %mul3A_227 = arith.mulf %get3A_226, %div3A : vector<16xf32>
          %swap3A = arith.index_cast %scan3A_207 : i32 to index
          %swap3A_228 = arith.index_cast %add3A_220 : i32 to index
          %swap3A_229 = tpu.vector_load %arg4[%swap3A, %swap3A_228] {strides = array<i32>} : memref<16x512xf32, #tpu.memory_space<vmem>>, vector<1x16xf32>,
          %swap3A_230 = vector.shape_cast %swap3A_229 : vector<1x16xf32> to vector<16xf32>
          %swap3A_231 = vector.shape_cast %mul3A_227 : vector<16xf32> to vector<1x16xf32>
          tpu.vector_store %arg4[%swap3A, %swap3A_228], %swap3A_231 {strides = array<i32>} : memref<16x512xf32, #tpu.memory_space<vmem>>, vector<1x16xf32>,
          %get3A_232 = arith.index_cast %add3A_221 : i32 to index
          %get3A_233 = tpu.vector_load %arg7[%get3A_232] {strides = array<i32>} : memref<8192xf32, #tpu.memory_space<vmem>>, vector<16xf32>,
          %get3A_234 = vector.shape_cast %get3A_233 : vector<16xf32> to vector<16xf32>
          %mul3A_235 = arith.mulf %get3A_234, %div3A : vector<16xf32>
          %swap3A_236 = arith.index_cast %scan3A_207 : i32 to index
          %swap3A_237 = arith.index_cast %add3A_220 : i32 to index
          %swap3A_238 = tpu.vector_load %arg5[%swap3A_236, %swap3A_237] {strides = array<i32>} : memref<16x512xf32, #tpu.memory_space<vmem>>, vector<1x16xf32>,
          %swap3A_239 = vector.shape_cast %swap3A_238 : vector<1x16xf32> to vector<16xf32>
          %swap3A_240 = vector.shape_cast %mul3A_235 : vector<16xf32> to vector<1x16xf32>
          tpu.vector_store %arg5[%swap3A_236, %swap3A_237], %swap3A_240 {strides = array<i32>} : memref<16x512xf32, #tpu.memory_space<vmem>>, vector<1x16xf32>,
          %swap3A_241 = arith.index_cast %add3A_221 : i32 to index
          %swap3A_242 = tpu.vector_load %arg6[%swap3A_241] {strides = array<i32>} : memref<8192xf32, #tpu.memory_space<vmem>>, vector<16xf32>,
          %swap3A_243 = vector.shape_cast %swap3A_242 : vector<16xf32> to vector<16xf32>
          %swap3A_244 = vector.shape_cast %broadcast_in_dim3A_3 : vector<16xf32> to vector<16xf32>
          tpu.vector_store %arg6[%swap3A_241], %swap3A_244 {strides = array<i32>} : memref<8192xf32, #tpu.memory_space<vmem>>, vector<16xf32>,
          %mul3A_245 = arith.constant 64 : i32
          %mul3A_246 = arith.muli %scan3A_216, %mul3A_245 : i32
          %add3A_247 = arith.constant 16 : i32
          %add3A_248 = arith.addi %mul3A_246, %add3A_247 : i32
          %add3A_249 = arith.addi %mul3A_209, %add3A_248 : i32
          %get3A_250 = arith.index_cast %add3A_249 : i32 to index
          %get3A_251 = tpu.vector_load %arg8[%get3A_250] {strides = array<i32>} : memref<8192xf32, #tpu.memory_space<vmem>>, vector<16xf32>,
          %get3A_252 = vector.shape_cast %get3A_251 : vector<16xf32> to vector<16xf32>
          %max3A_253 = arith.maximumf %get3A_252, %broadcast_in_dim3A_5 : vector<16xf32>
          %div3A_254 = arith.divf %broadcast_in_dim3A_5, %max3A_253 : vector<16xf32>
          %get3A_255 = arith.index_cast %add3A_249 : i32 to index
          %get3A_256 = tpu.vector_load %arg6[%get3A_255] {strides = array<i32>} : memref<8192xf32, #tpu.memory_space<vmem>>, vector<16xf32>,
          %get3A_257 = vector.shape_cast %get3A_256 : vector<16xf32> to vector<16xf32>
          %mul3A_258 = arith.mulf %get3A_257, %div3A_254 : vector<16xf32>
          %swap3A_259 = arith.index_cast %scan3A_207 : i32 to index
          %swap3A_260 = arith.index_cast %add3A_248 : i32 to index
          %swap3A_261 = tpu.vector_load %arg4[%swap3A_259, %swap3A_260] {strides = array<i32>} : memref<16x512xf32, #tpu.memory_space<vmem>>, vector<1x16xf32>,
          %swap3A_262 = vector.shape_cast %swap3A_261 : vector<1x16xf32> to vector<16xf32>
          %swap3A_263 = vector.shape_cast %mul3A_258 : vector<16xf32> to vector<1x16xf32>
          tpu.vector_store %arg4[%swap3A_259, %swap3A_260], %swap3A_263 {strides = array<i32>} : memref<16x512xf32, #tpu.memory_space<vmem>>, vector<1x16xf32>,
          %get3A_264 = arith.index_cast %add3A_249 : i32 to index
          %get3A_265 = tpu.vector_load %arg7[%get3A_264] {strides = array<i32>} : memref<8192xf32, #tpu.memory_space<vmem>>, vector<16xf32>,
          %get3A_266 = vector.shape_cast %get3A_265 : vector<16xf32> to vector<16xf32>
          %mul3A_267 = arith.mulf %get3A_266, %div3A_254 : vector<16xf32>
          %swap3A_268 = arith.index_cast %scan3A_207 : i32 to index
          %swap3A_269 = arith.index_cast %add3A_248 : i32 to index
          %swap3A_270 = tpu.vector_load %arg5[%swap3A_268, %swap3A_269] {strides = array<i32>} : memref<16x512xf32, #tpu.memory_space<vmem>>, vector<1x16xf32>,
          %swap3A_271 = vector.shape_cast %swap3A_270 : vector<1x16xf32> to vector<16xf32>
          %swap3A_272 = vector.shape_cast %mul3A_267 : vector<16xf32> to vector<1x16xf32>
          tpu.vector_store %arg5[%swap3A_268, %swap3A_269], %swap3A_272 {strides = array<i32>} : memref<16x512xf32, #tpu.memory_space<vmem>>, vector<1x16xf32>,
          %swap3A_273 = arith.index_cast %add3A_249 : i32 to index
          %swap3A_274 = tpu.vector_load %arg6[%swap3A_273] {strides = array<i32>} : memref<8192xf32, #tpu.memory_space<vmem>>, vector<16xf32>,
          %swap3A_275 = vector.shape_cast %swap3A_274 : vector<16xf32> to vector<16xf32>
          %swap3A_276 = vector.shape_cast %broadcast_in_dim3A_3 : vector<16xf32> to vector<16xf32>
          tpu.vector_store %arg6[%swap3A_273], %swap3A_276 {strides = array<i32>} : memref<8192xf32, #tpu.memory_space<vmem>>, vector<16xf32>,
          %mul3A_277 = arith.constant 64 : i32
          %mul3A_278 = arith.muli %scan3A_216, %mul3A_277 : i32
          %add3A_279 = arith.constant 32 : i32
          %add3A_280 = arith.addi %mul3A_278, %add3A_279 : i32
          %add3A_281 = arith.addi %mul3A_209, %add3A_280 : i32
          %get3A_282 = arith.index_cast %add3A_281 : i32 to index
          %get3A_283 = tpu.vector_load %arg8[%get3A_282] {strides = array<i32>} : memref<8192xf32, #tpu.memory_space<vmem>>, vector<16xf32>,
          %get3A_284 = vector.shape_cast %get3A_283 : vector<16xf32> to vector<16xf32>
          %max3A_285 = arith.maximumf %get3A_284, %broadcast_in_dim3A_5 : vector<16xf32>
          %div3A_286 = arith.divf %broadcast_in_dim3A_5, %max3A_285 : vector<16xf32>
          %get3A_287 = arith.index_cast %add3A_281 : i32 to index
          %get3A_288 = tpu.vector_load %arg6[%get3A_287] {strides = array<i32>} : memref<8192xf32, #tpu.memory_space<vmem>>, vector<16xf32>,
          %get3A_289 = vector.shape_cast %get3A_288 : vector<16xf32> to vector<16xf32>
          %mul3A_290 = arith.mulf %get3A_289, %div3A_286 : vector<16xf32>
          %swap3A_291 = arith.index_cast %scan3A_207 : i32 to index
          %swap3A_292 = arith.index_cast %add3A_280 : i32 to index
          %swap3A_293 = tpu.vector_load %arg4[%swap3A_291, %swap3A_292] {strides = array<i32>} : memref<16x512xf32, #tpu.memory_space<vmem>>, vector<1x16xf32>,
          %swap3A_294 = vector.shape_cast %swap3A_293 : vector<1x16xf32> to vector<16xf32>
          %swap3A_295 = vector.shape_cast %mul3A_290 : vector<16xf32> to vector<1x16xf32>
          tpu.vector_store %arg4[%swap3A_291, %swap3A_292], %swap3A_295 {strides = array<i32>} : memref<16x512xf32, #tpu.memory_space<vmem>>, vector<1x16xf32>,
          %get3A_296 = arith.index_cast %add3A_281 : i32 to index
          %get3A_297 = tpu.vector_load %arg7[%get3A_296] {strides = array<i32>} : memref<8192xf32, #tpu.memory_space<vmem>>, vector<16xf32>,
          %get3A_298 = vector.shape_cast %get3A_297 : vector<16xf32> to vector<16xf32>
          %mul3A_299 = arith.mulf %get3A_298, %div3A_286 : vector<16xf32>
          %swap3A_300 = arith.index_cast %scan3A_207 : i32 to index
          %swap3A_301 = arith.index_cast %add3A_280 : i32 to index
          %swap3A_302 = tpu.vector_load %arg5[%swap3A_300, %swap3A_301] {strides = array<i32>} : memref<16x512xf32, #tpu.memory_space<vmem>>, vector<1x16xf32>,
          %swap3A_303 = vector.shape_cast %swap3A_302 : vector<1x16xf32> to vector<16xf32>
          %swap3A_304 = vector.shape_cast %mul3A_299 : vector<16xf32> to vector<1x16xf32>
          tpu.vector_store %arg5[%swap3A_300, %swap3A_301], %swap3A_304 {strides = array<i32>} : memref<16x512xf32, #tpu.memory_space<vmem>>, vector<1x16xf32>,
          %swap3A_305 = arith.index_cast %add3A_281 : i32 to index
          %swap3A_306 = tpu.vector_load %arg6[%swap3A_305] {strides = array<i32>} : memref<8192xf32, #tpu.memory_space<vmem>>, vector<16xf32>,
          %swap3A_307 = vector.shape_cast %swap3A_306 : vector<16xf32> to vector<16xf32>
          %swap3A_308 = vector.shape_cast %broadcast_in_dim3A_3 : vector<16xf32> to vector<16xf32>
          tpu.vector_store %arg6[%swap3A_305], %swap3A_308 {strides = array<i32>} : memref<8192xf32, #tpu.memory_space<vmem>>, vector<16xf32>,
          %mul3A_309 = arith.constant 64 : i32
          %mul3A_310 = arith.muli %scan3A_216, %mul3A_309 : i32
          %add3A_311 = arith.constant 48 : i32
          %add3A_312 = arith.addi %mul3A_310, %add3A_311 : i32
          %add3A_313 = arith.addi %mul3A_209, %add3A_312 : i32
          %get3A_314 = arith.index_cast %add3A_313 : i32 to index
          %get3A_315 = tpu.vector_load %arg8[%get3A_314] {strides = array<i32>} : memref<8192xf32, #tpu.memory_space<vmem>>, vector<16xf32>,
          %get3A_316 = vector.shape_cast %get3A_315 : vector<16xf32> to vector<16xf32>
          %max3A_317 = arith.maximumf %get3A_316, %broadcast_in_dim3A_5 : vector<16xf32>
          %div3A_318 = arith.divf %broadcast_in_dim3A_5, %max3A_317 : vector<16xf32>
          %get3A_319 = arith.index_cast %add3A_313 : i32 to index
          %get3A_320 = tpu.vector_load %arg6[%get3A_319] {strides = array<i32>} : memref<8192xf32, #tpu.memory_space<vmem>>, vector<16xf32>,
          %get3A_321 = vector.shape_cast %get3A_320 : vector<16xf32> to vector<16xf32>
          %mul3A_322 = arith.mulf %get3A_321, %div3A_318 : vector<16xf32>
          %swap3A_323 = arith.index_cast %scan3A_207 : i32 to index
          %swap3A_324 = arith.index_cast %add3A_312 : i32 to index
          %swap3A_325 = tpu.vector_load %arg4[%swap3A_323, %swap3A_324] {strides = array<i32>} : memref<16x512xf32, #tpu.memory_space<vmem>>, vector<1x16xf32>,
          %swap3A_326 = vector.shape_cast %swap3A_325 : vector<1x16xf32> to vector<16xf32>
          %swap3A_327 = vector.shape_cast %mul3A_322 : vector<16xf32> to vector<1x16xf32>
          tpu.vector_store %arg4[%swap3A_323, %swap3A_324], %swap3A_327 {strides = array<i32>} : memref<16x512xf32, #tpu.memory_space<vmem>>, vector<1x16xf32>,
          %get3A_328 = arith.index_cast %add3A_313 : i32 to index
          %get3A_329 = tpu.vector_load %arg7[%get3A_328] {strides = array<i32>} : memref<8192xf32, #tpu.memory_space<vmem>>, vector<16xf32>,
          %get3A_330 = vector.shape_cast %get3A_329 : vector<16xf32> to vector<16xf32>
          %mul3A_331 = arith.mulf %get3A_330, %div3A_318 : vector<16xf32>
          %swap3A_332 = arith.index_cast %scan3A_207 : i32 to index
          %swap3A_333 = arith.index_cast %add3A_312 : i32 to index
          %swap3A_334 = tpu.vector_load %arg5[%swap3A_332, %swap3A_333] {strides = array<i32>} : memref<16x512xf32, #tpu.memory_space<vmem>>, vector<1x16xf32>,
          %swap3A_335 = vector.shape_cast %swap3A_334 : vector<1x16xf32> to vector<16xf32>
          %swap3A_336 = vector.shape_cast %mul3A_331 : vector<16xf32> to vector<1x16xf32>
          tpu.vector_store %arg5[%swap3A_332, %swap3A_333], %swap3A_336 {strides = array<i32>} : memref<16x512xf32, #tpu.memory_space<vmem>>, vector<1x16xf32>,
          %swap3A_337 = arith.index_cast %add3A_313 : i32 to index
          %swap3A_338 = tpu.vector_load %arg6[%swap3A_337] {strides = array<i32>} : memref<8192xf32, #tpu.memory_space<vmem>>, vector<16xf32>,
          %swap3A_339 = vector.shape_cast %swap3A_338 : vector<16xf32> to vector<16xf32>
          %swap3A_340 = vector.shape_cast %broadcast_in_dim3A_3 : vector<16xf32> to vector<16xf32>
          tpu.vector_store %arg6[%swap3A_337], %swap3A_340 {strides = array<i32>} : memref<8192xf32, #tpu.memory_space<vmem>>, vector<16xf32>,
        }
        %scan3A_215 = arith.constant 8 : i32
      }
      %scan3A_105 = arith.constant 16 : i32
      %add3A_106 = arith.constant 0 : i32
      %add3A_107 = arith.addi %mul3A_2, %add3A_106 : i32
      %dma_start3A_108 = arith.constant 0 : i32
      %dma_start3A_109 = arith.constant 0 : i32
      %dma_start3A_110 = tpu.memref_slice %arg3[%add3A_31, %dma_start3A_108, %add3A_107, %dma_start3A_109] : memref<32x2x512x512xf32, #tpu.memory_space<hbm>> -> memref<1x1x16x512xf32, #tpu.memory_space<hbm>>
      %dma_start3A_111 = tpu.memref_squeeze %dma_start3A_110 : memref<1x1x16x512xf32, #tpu.memory_space<hbm>> -> memref<16x512xf32, #tpu.memory_space<hbm>>
      %dma_start3A_112 = arith.constant 0 : i32
      %dma_start3A_113 = tpu.memref_slice %arg3[%add3A_31, %dma_start3A_108, %add3A_107, %dma_start3A_112] : memref<32x2x512x512xf32, #tpu.memory_space<hbm>> -> memref<1x1x16x512xf32, #tpu.memory_space<hbm>>
      %dma_start3A_114 = tpu.memref_squeeze %dma_start3A_113 : memref<1x1x16x512xf32, #tpu.memory_space<hbm>> -> memref<16x512xf32, #tpu.memory_space<hbm>>
      tpu.enqueue_dma source(%arg4 : memref<16x512xf32, #tpu.memory_space<vmem>>) target(%dma_start3A_114 : memref<16x512xf32, #tpu.memory_space<hbm>>) target_semaphore(%arg23 : memref<!tpu.dma_semaphore, #tpu.memory_space<semaphore_mem>>)
      %dma_start3A_115 = arith.constant 1 : i32
      %dma_start3A_116 = arith.constant 0 : i32
      %dma_start3A_117 = tpu.memref_slice %arg3[%add3A_31, %dma_start3A_115, %add3A_107, %dma_start3A_116] : memref<32x2x512x512xf32, #tpu.memory_space<hbm>> -> memref<1x1x16x512xf32, #tpu.memory_space<hbm>>
      %dma_start3A_118 = tpu.memref_squeeze %dma_start3A_117 : memref<1x1x16x512xf32, #tpu.memory_space<hbm>> -> memref<16x512xf32, #tpu.memory_space<hbm>>
      %dma_start3A_119 = arith.constant 0 : i32
      %dma_start3A_120 = tpu.memref_slice %arg3[%add3A_31, %dma_start3A_115, %add3A_107, %dma_start3A_119] : memref<32x2x512x512xf32, #tpu.memory_space<hbm>> -> memref<1x1x16x512xf32, #tpu.memory_space<hbm>>
      %dma_start3A_121 = tpu.memref_squeeze %dma_start3A_120 : memref<1x1x16x512xf32, #tpu.memory_space<hbm>> -> memref<16x512xf32, #tpu.memory_space<hbm>>
      tpu.enqueue_dma source(%arg5 : memref<16x512xf32, #tpu.memory_space<vmem>>) target(%dma_start3A_121 : memref<16x512xf32, #tpu.memory_space<hbm>>) target_semaphore(%arg24 : memref<!tpu.dma_semaphore, #tpu.memory_space<semaphore_mem>>)
      %add3A_122 = arith.constant 0 : i32
      %add3A_123 = arith.addi %mul3A_0, %add3A_122 : i32
      %dma_start3A_124 = tpu.memref_slice %arg14[%add3A_123] : memref<262144xf32, #tpu.memory_space<vmem_shared>> -> memref<8192xf32, #tpu.memory_space<vmem_shared>>
      %dma_start3A_125 = tpu.memref_slice %arg14[%add3A_123] : memref<262144xf32, #tpu.memory_space<vmem_shared>> -> memref<8192xf32, #tpu.memory_space<vmem_shared>>
      tpu.enqueue_dma source(%arg6 : memref<8192xf32, #tpu.memory_space<vmem>>) target(%dma_start3A_125 : memref<8192xf32, #tpu.memory_space<vmem_shared>>) target_semaphore(%arg17 : memref<!tpu.dma_semaphore, #tpu.memory_space<semaphore_mem>>)
      %dma_start3A_126 = tpu.memref_slice %arg15[%add3A_123] : memref<262144xf32, #tpu.memory_space<vmem_shared>> -> memref<8192xf32, #tpu.memory_space<vmem_shared>>
      %dma_start3A_127 = tpu.memref_slice %arg15[%add3A_123] : memref<262144xf32, #tpu.memory_space<vmem_shared>> -> memref<8192xf32, #tpu.memory_space<vmem_shared>>
      tpu.enqueue_dma source(%arg6 : memref<8192xf32, #tpu.memory_space<vmem>>) target(%dma_start3A_127 : memref<8192xf32, #tpu.memory_space<vmem_shared>>) target_semaphore(%arg18 : memref<!tpu.dma_semaphore, #tpu.memory_space<semaphore_mem>>)
      %dma_start3A_128 = tpu.memref_slice %arg16[%add3A_123] : memref<262144xf32, #tpu.memory_space<vmem_shared>> -> memref<8192xf32, #tpu.memory_space<vmem_shared>>
      %dma_start3A_129 = tpu.memref_slice %arg16[%add3A_123] : memref<262144xf32, #tpu.memory_space<vmem_shared>> -> memref<8192xf32, #tpu.memory_space<vmem_shared>>
      tpu.enqueue_dma source(%arg6 : memref<8192xf32, #tpu.memory_space<vmem>>) target(%dma_start3A_129 : memref<8192xf32, #tpu.memory_space<vmem_shared>>) target_semaphore(%arg19 : memref<!tpu.dma_semaphore, #tpu.memory_space<semaphore_mem>>)
      %dma_wait3A_130 = tpu.memref_slice %arg14[%add3A_87] : memref<262144xf32, #tpu.memory_space<vmem_shared>> -> memref<8192xf32, #tpu.memory_space<vmem_shared>>
      %dma_wait3A_131 = tpu.memref_slice %arg14[%add3A_87] : memref<262144xf32, #tpu.memory_space<vmem_shared>> -> memref<8192xf32, #tpu.memory_space<vmem_shared>>
      tpu.wait_dma2 semaphore(%arg20 : memref<!tpu.dma_semaphore, #tpu.memory_space<semaphore_mem>>) src(%dma_wait3A_131 : memref<8192xf32, #tpu.memory_space<vmem_shared>>) dst(%arg10 : memref<8192xf32, #tpu.memory_space<vmem>>)
      %dma_wait3A_132 = tpu.memref_slice %arg15[%add3A_87] : memref<262144xf32, #tpu.memory_space<vmem_shared>> -> memref<8192xf32, #tpu.memory_space<vmem_shared>>
      %dma_wait3A_133 = tpu.memref_slice %arg15[%add3A_87] : memref<262144xf32, #tpu.memory_space<vmem_shared>> -> memref<8192xf32, #tpu.memory_space<vmem_shared>>
      tpu.wait_dma2 semaphore(%arg21 : memref<!tpu.dma_semaphore, #tpu.memory_space<semaphore_mem>>) src(%dma_wait3A_133 : memref<8192xf32, #tpu.memory_space<vmem_shared>>) dst(%arg11 : memref<8192xf32, #tpu.memory_space<vmem>>)
      %dma_wait3A_134 = tpu.memref_slice %arg16[%add3A_87] : memref<262144xf32, #tpu.memory_space<vmem_shared>> -> memref<8192xf32, #tpu.memory_space<vmem_shared>>
      %dma_wait3A_135 = tpu.memref_slice %arg16[%add3A_87] : memref<262144xf32, #tpu.memory_space<vmem_shared>> -> memref<8192xf32, #tpu.memory_space<vmem_shared>>
      tpu.wait_dma2 semaphore(%arg22 : memref<!tpu.dma_semaphore, #tpu.memory_space<semaphore_mem>>) src(%dma_wait3A_135 : memref<8192xf32, #tpu.memory_space<vmem_shared>>) dst(%arg12 : memref<8192xf32, #tpu.memory_space<vmem>>)
      %dma_wait3A_136 = arith.constant 0 : i32
      %dma_wait3A_137 = arith.constant 0 : i32
      %dma_wait3A_138 = tpu.memref_slice %arg3[%add3A_31, %dma_wait3A_136, %add3A_107, %dma_wait3A_137] : memref<32x2x512x512xf32, #tpu.memory_space<hbm>> -> memref<1x1x16x512xf32, #tpu.memory_space<hbm>>
      %dma_wait3A_139 = tpu.memref_squeeze %dma_wait3A_138 : memref<1x1x16x512xf32, #tpu.memory_space<hbm>> -> memref<16x512xf32, #tpu.memory_space<hbm>>
      %dma_wait3A_140 = arith.constant 0 : i32
      %dma_wait3A_141 = tpu.memref_slice %arg3[%add3A_31, %dma_wait3A_136, %add3A_107, %dma_wait3A_140] : memref<32x2x512x512xf32, #tpu.memory_space<hbm>> -> memref<1x1x16x512xf32, #tpu.memory_space<hbm>>
      %dma_wait3A_142 = tpu.memref_squeeze %dma_wait3A_141 : memref<1x1x16x512xf32, #tpu.memory_space<hbm>> -> memref<16x512xf32, #tpu.memory_space<hbm>>
      tpu.wait_dma2 semaphore(%arg23 : memref<!tpu.dma_semaphore, #tpu.memory_space<semaphore_mem>>) src(%arg4 : memref<16x512xf32, #tpu.memory_space<vmem>>) dst(%dma_wait3A_142 : memref<16x512xf32, #tpu.memory_space<hbm>>)
      %dma_wait3A_143 = arith.constant 1 : i32
      %dma_wait3A_144 = arith.constant 0 : i32
      %dma_wait3A_145 = tpu.memref_slice %arg3[%add3A_31, %dma_wait3A_143, %add3A_107, %dma_wait3A_144] : memref<32x2x512x512xf32, #tpu.memory_space<hbm>> -> memref<1x1x16x512xf32, #tpu.memory_space<hbm>>
      %dma_wait3A_146 = tpu.memref_squeeze %dma_wait3A_145 : memref<1x1x16x512xf32, #tpu.memory_space<hbm>> -> memref<16x512xf32, #tpu.memory_space<hbm>>
      %dma_wait3A_147 = arith.constant 0 : i32
      %dma_wait3A_148 = tpu.memref_slice %arg3[%add3A_31, %dma_wait3A_143, %add3A_107, %dma_wait3A_147] : memref<32x2x512x512xf32, #tpu.memory_space<hbm>> -> memref<1x1x16x512xf32, #tpu.memory_space<hbm>>
      %dma_wait3A_149 = tpu.memref_squeeze %dma_wait3A_148 : memref<1x1x16x512xf32, #tpu.memory_space<hbm>> -> memref<16x512xf32, #tpu.memory_space<hbm>>
      tpu.wait_dma2 semaphore(%arg24 : memref<!tpu.dma_semaphore, #tpu.memory_space<semaphore_mem>>) src(%arg5 : memref<16x512xf32, #tpu.memory_space<vmem>>) dst(%dma_wait3A_149 : memref<16x512xf32, #tpu.memory_space<hbm>>)
      %scan3A_150 = arith.constant 0 : i32
      %scan3A_151 = arith.constant 0 : i32
      %scan3A_152 = arith.constant 16 : i32
      %scan3A_153 = arith.addi %scan3A_151, %scan3A_152 : i32
      %scan3A_154 = arith.constant 1 : i32
      scf.for %scan3A_207 = %scan3A_151 to %scan3A_153 step %scan3A_154  : i32 {
        %mul3A_208 = arith.constant 512 : i32
        %mul3A_209 = arith.muli %scan3A_207, %mul3A_208 : i32
        %scan3A_210 = arith.constant 0 : i32
        %scan3A_211 = arith.constant 0 : i32
        %scan3A_212 = arith.constant 8 : i32
        %scan3A_213 = arith.addi %scan3A_211, %scan3A_212 : i32
        %scan3A_214 = arith.constant 1 : i32
        scf.for %scan3A_216 = %scan3A_211 to %scan3A_213 step %scan3A_214  : i32 {
          %mul3A_217 = arith.constant 64 : i32
          %mul3A_218 = arith.muli %scan3A_216, %mul3A_217 : i32
          %add3A_219 = arith.constant 0 : i32
          %add3A_220 = arith.addi %mul3A_218, %add3A_219 : i32
          %add3A_221 = arith.addi %mul3A_209, %add3A_220 : i32
          %get3A = arith.index_cast %add3A_221 : i32 to index
          %get3A_222 = tpu.vector_load %arg12[%get3A] {strides = array<i32>} : memref<8192xf32, #tpu.memory_space<vmem>>, vector<16xf32>,
          %get3A_223 = vector.shape_cast %get3A_222 : vector<16xf32> to vector<16xf32>
          %max3A = arith.maximumf %get3A_223, %broadcast_in_dim3A_5 : vector<16xf32>
          %div3A = arith.divf %broadcast_in_dim3A_5, %max3A : vector<16xf32>
          %get3A_224 = arith.index_cast %add3A_221 : i32 to index
          %get3A_225 = tpu.vector_load %arg10[%get3A_224] {strides = array<i32>} : memref<8192xf32, #tpu.memory_space<vmem>>, vector<16xf32>,
          %get3A_226 = vector.shape_cast %get3A_225 : vector<16xf32> to vector<16xf32>
          %mul3A_227 = arith.mulf %get3A_226, %div3A : vector<16xf32>
          %swap3A = arith.index_cast %scan3A_207 : i32 to index
          %swap3A_228 = arith.index_cast %add3A_220 : i32 to index
          %swap3A_229 = tpu.vector_load %arg4[%swap3A, %swap3A_228] {strides = array<i32>} : memref<16x512xf32, #tpu.memory_space<vmem>>, vector<1x16xf32>,
          %swap3A_230 = vector.shape_cast %swap3A_229 : vector<1x16xf32> to vector<16xf32>
          %swap3A_231 = vector.shape_cast %mul3A_227 : vector<16xf32> to vector<1x16xf32>
          tpu.vector_store %arg4[%swap3A, %swap3A_228], %swap3A_231 {strides = array<i32>} : memref<16x512xf32, #tpu.memory_space<vmem>>, vector<1x16xf32>,
          %get3A_232 = arith.index_cast %add3A_221 : i32 to index
          %get3A_233 = tpu.vector_load %arg11[%get3A_232] {strides = array<i32>} : memref<8192xf32, #tpu.memory_space<vmem>>, vector<16xf32>,
          %get3A_234 = vector.shape_cast %get3A_233 : vector<16xf32> to vector<16xf32>
          %mul3A_235 = arith.mulf %get3A_234, %div3A : vector<16xf32>
          %swap3A_236 = arith.index_cast %scan3A_207 : i32 to index
          %swap3A_237 = arith.index_cast %add3A_220 : i32 to index
          %swap3A_238 = tpu.vector_load %arg5[%swap3A_236, %swap3A_237] {strides = array<i32>} : memref<16x512xf32, #tpu.memory_space<vmem>>, vector<1x16xf32>,
          %swap3A_239 = vector.shape_cast %swap3A_238 : vector<1x16xf32> to vector<16xf32>
          %swap3A_240 = vector.shape_cast %mul3A_235 : vector<16xf32> to vector<1x16xf32>
          tpu.vector_store %arg5[%swap3A_236, %swap3A_237], %swap3A_240 {strides = array<i32>} : memref<16x512xf32, #tpu.memory_space<vmem>>, vector<1x16xf32>,
          %mul3A_241 = arith.constant 64 : i32
          %mul3A_242 = arith.muli %scan3A_216, %mul3A_241 : i32
          %add3A_243 = arith.constant 16 : i32
          %add3A_244 = arith.addi %mul3A_242, %add3A_243 : i32
          %add3A_245 = arith.addi %mul3A_209, %add3A_244 : i32
          %get3A_246 = arith.index_cast %add3A_245 : i32 to index
          %get3A_247 = tpu.vector_load %arg12[%get3A_246] {strides = array<i32>} : memref<8192xf32, #tpu.memory_space<vmem>>, vector<16xf32>,
          %get3A_248 = vector.shape_cast %get3A_247 : vector<16xf32> to vector<16xf32>
          %max3A_249 = arith.maximumf %get3A_248, %broadcast_in_dim3A_5 : vector<16xf32>
          %div3A_250 = arith.divf %broadcast_in_dim3A_5, %max3A_249 : vector<16xf32>
          %get3A_251 = arith.index_cast %add3A_245 : i32 to index
          %get3A_252 = tpu.vector_load %arg10[%get3A_251] {strides = array<i32>} : memref<8192xf32, #tpu.memory_space<vmem>>, vector<16xf32>,
          %get3A_253 = vector.shape_cast %get3A_252 : vector<16xf32> to vector<16xf32>
          %mul3A_254 = arith.mulf %get3A_253, %div3A_250 : vector<16xf32>
          %swap3A_255 = arith.index_cast %scan3A_207 : i32 to index
          %swap3A_256 = arith.index_cast %add3A_244 : i32 to index
          %swap3A_257 = tpu.vector_load %arg4[%swap3A_255, %swap3A_256] {strides = array<i32>} : memref<16x512xf32, #tpu.memory_space<vmem>>, vector<1x16xf32>,
          %swap3A_258 = vector.shape_cast %swap3A_257 : vector<1x16xf32> to vector<16xf32>
          %swap3A_259 = vector.shape_cast %mul3A_254 : vector<16xf32> to vector<1x16xf32>
          tpu.vector_store %arg4[%swap3A_255, %swap3A_256], %swap3A_259 {strides = array<i32>} : memref<16x512xf32, #tpu.memory_space<vmem>>, vector<1x16xf32>,
          %get3A_260 = arith.index_cast %add3A_245 : i32 to index
          %get3A_261 = tpu.vector_load %arg11[%get3A_260] {strides = array<i32>} : memref<8192xf32, #tpu.memory_space<vmem>>, vector<16xf32>,
          %get3A_262 = vector.shape_cast %get3A_261 : vector<16xf32> to vector<16xf32>
          %mul3A_263 = arith.mulf %get3A_262, %div3A_250 : vector<16xf32>
          %swap3A_264 = arith.index_cast %scan3A_207 : i32 to index
          %swap3A_265 = arith.index_cast %add3A_244 : i32 to index
          %swap3A_266 = tpu.vector_load %arg5[%swap3A_264, %swap3A_265] {strides = array<i32>} : memref<16x512xf32, #tpu.memory_space<vmem>>, vector<1x16xf32>,
          %swap3A_267 = vector.shape_cast %swap3A_266 : vector<1x16xf32> to vector<16xf32>
          %swap3A_268 = vector.shape_cast %mul3A_263 : vector<16xf32> to vector<1x16xf32>
          tpu.vector_store %arg5[%swap3A_264, %swap3A_265], %swap3A_268 {strides = array<i32>} : memref<16x512xf32, #tpu.memory_space<vmem>>, vector<1x16xf32>,
          %mul3A_269 = arith.constant 64 : i32
          %mul3A_270 = arith.muli %scan3A_216, %mul3A_269 : i32
          %add3A_271 = arith.constant 32 : i32
          %add3A_272 = arith.addi %mul3A_270, %add3A_271 : i32
          %add3A_273 = arith.addi %mul3A_209, %add3A_272 : i32
          %get3A_274 = arith.index_cast %add3A_273 : i32 to index
          %get3A_275 = tpu.vector_load %arg12[%get3A_274] {strides = array<i32>} : memref<8192xf32, #tpu.memory_space<vmem>>, vector<16xf32>,
          %get3A_276 = vector.shape_cast %get3A_275 : vector<16xf32> to vector<16xf32>
          %max3A_277 = arith.maximumf %get3A_276, %broadcast_in_dim3A_5 : vector<16xf32>
          %div3A_278 = arith.divf %broadcast_in_dim3A_5, %max3A_277 : vector<16xf32>
          %get3A_279 = arith.index_cast %add3A_273 : i32 to index
          %get3A_280 = tpu.vector_load %arg10[%get3A_279] {strides = array<i32>} : memref<8192xf32, #tpu.memory_space<vmem>>, vector<16xf32>,
          %get3A_281 = vector.shape_cast %get3A_280 : vector<16xf32> to vector<16xf32>
          %mul3A_282 = arith.mulf %get3A_281, %div3A_278 : vector<16xf32>
          %swap3A_283 = arith.index_cast %scan3A_207 : i32 to index
          %swap3A_284 = arith.index_cast %add3A_272 : i32 to index
          %swap3A_285 = tpu.vector_load %arg4[%swap3A_283, %swap3A_284] {strides = array<i32>} : memref<16x512xf32, #tpu.memory_space<vmem>>, vector<1x16xf32>,
          %swap3A_286 = vector.shape_cast %swap3A_285 : vector<1x16xf32> to vector<16xf32>
          %swap3A_287 = vector.shape_cast %mul3A_282 : vector<16xf32> to vector<1x16xf32>
          tpu.vector_store %arg4[%swap3A_283, %swap3A_284], %swap3A_287 {strides = array<i32>} : memref<16x512xf32, #tpu.memory_space<vmem>>, vector<1x16xf32>,
          %get3A_288 = arith.index_cast %add3A_273 : i32 to index
          %get3A_289 = tpu.vector_load %arg11[%get3A_288] {strides = array<i32>} : memref<8192xf32, #tpu.memory_space<vmem>>, vector<16xf32>,
          %get3A_290 = vector.shape_cast %get3A_289 : vector<16xf32> to vector<16xf32>
          %mul3A_291 = arith.mulf %get3A_290, %div3A_278 : vector<16xf32>
          %swap3A_292 = arith.index_cast %scan3A_207 : i32 to index
          %swap3A_293 = arith.index_cast %add3A_272 : i32 to index
          %swap3A_294 = tpu.vector_load %arg5[%swap3A_292, %swap3A_293] {strides = array<i32>} : memref<16x512xf32, #tpu.memory_space<vmem>>, vector<1x16xf32>,
          %swap3A_295 = vector.shape_cast %swap3A_294 : vector<1x16xf32> to vector<16xf32>
          %swap3A_296 = vector.shape_cast %mul3A_291 : vector<16xf32> to vector<1x16xf32>
          tpu.vector_store %arg5[%swap3A_292, %swap3A_293], %swap3A_296 {strides = array<i32>} : memref<16x512xf32, #tpu.memory_space<vmem>>, vector<1x16xf32>,
          %mul3A_297 = arith.constant 64 : i32
          %mul3A_298 = arith.muli %scan3A_216, %mul3A_297 : i32
          %add3A_299 = arith.constant 48 : i32
          %add3A_300 = arith.addi %mul3A_298, %add3A_299 : i32
          %add3A_301 = arith.addi %mul3A_209, %add3A_300 : i32
          %get3A_302 = arith.index_cast %add3A_301 : i32 to index
          %get3A_303 = tpu.vector_load %arg12[%get3A_302] {strides = array<i32>} : memref<8192xf32, #tpu.memory_space<vmem>>, vector<16xf32>,
          %get3A_304 = vector.shape_cast %get3A_303 : vector<16xf32> to vector<16xf32>
          %max3A_305 = arith.maximumf %get3A_304, %broadcast_in_dim3A_5 : vector<16xf32>
          %div3A_306 = arith.divf %broadcast_in_dim3A_5, %max3A_305 : vector<16xf32>
          %get3A_307 = arith.index_cast %add3A_301 : i32 to index
          %get3A_308 = tpu.vector_load %arg10[%get3A_307] {strides = array<i32>} : memref<8192xf32, #tpu.memory_space<vmem>>, vector<16xf32>,
          %get3A_309 = vector.shape_cast %get3A_308 : vector<16xf32> to vector<16xf32>
          %mul3A_310 = arith.mulf %get3A_309, %div3A_306 : vector<16xf32>
          %swap3A_311 = arith.index_cast %scan3A_207 : i32 to index
          %swap3A_312 = arith.index_cast %add3A_300 : i32 to index
          %swap3A_313 = tpu.vector_load %arg4[%swap3A_311, %swap3A_312] {strides = array<i32>} : memref<16x512xf32, #tpu.memory_space<vmem>>, vector<1x16xf32>,
          %swap3A_314 = vector.shape_cast %swap3A_313 : vector<1x16xf32> to vector<16xf32>
          %swap3A_315 = vector.shape_cast %mul3A_310 : vector<16xf32> to vector<1x16xf32>
          tpu.vector_store %arg4[%swap3A_311, %swap3A_312], %swap3A_315 {strides = array<i32>} : memref<16x512xf32, #tpu.memory_space<vmem>>, vector<1x16xf32>,
          %get3A_316 = arith.index_cast %add3A_301 : i32 to index
          %get3A_317 = tpu.vector_load %arg11[%get3A_316] {strides = array<i32>} : memref<8192xf32, #tpu.memory_space<vmem>>, vector<16xf32>,
          %get3A_318 = vector.shape_cast %get3A_317 : vector<16xf32> to vector<16xf32>
          %mul3A_319 = arith.mulf %get3A_318, %div3A_306 : vector<16xf32>
          %swap3A_320 = arith.index_cast %scan3A_207 : i32 to index
          %swap3A_321 = arith.index_cast %add3A_300 : i32 to index
          %swap3A_322 = tpu.vector_load %arg5[%swap3A_320, %swap3A_321] {strides = array<i32>} : memref<16x512xf32, #tpu.memory_space<vmem>>, vector<1x16xf32>,
          %swap3A_323 = vector.shape_cast %swap3A_322 : vector<1x16xf32> to vector<16xf32>
          %swap3A_324 = vector.shape_cast %mul3A_319 : vector<16xf32> to vector<1x16xf32>
          tpu.vector_store %arg5[%swap3A_320, %swap3A_321], %swap3A_324 {strides = array<i32>} : memref<16x512xf32, #tpu.memory_space<vmem>>, vector<1x16xf32>,
        }
        %scan3A_215 = arith.constant 8 : i32
      }
      %scan3A_155 = arith.constant 16 : i32
      %add3A_156 = arith.constant 16 : i32
      %add3A_157 = arith.addi %mul3A_2, %add3A_156 : i32
      %dma_start3A_158 = arith.constant 0 : i32
      %dma_start3A_159 = arith.constant 0 : i32
      %dma_start3A_160 = tpu.memref_slice %arg3[%add3A_31, %dma_start3A_158, %add3A_157, %dma_start3A_159] : memref<32x2x512x512xf32, #tpu.memory_space<hbm>> -> memref<1x1x16x512xf32, #tpu.memory_space<hbm>>
      %dma_start3A_161 = tpu.memref_squeeze %dma_start3A_160 : memref<1x1x16x512xf32, #tpu.memory_space<hbm>> -> memref<16x512xf32, #tpu.memory_space<hbm>>
      %dma_start3A_162 = arith.constant 0 : i32
      %dma_start3A_163 = tpu.memref_slice %arg3[%add3A_31, %dma_start3A_158, %add3A_157, %dma_start3A_162] : memref<32x2x512x512xf32, #tpu.memory_space<hbm>> -> memref<1x1x16x512xf32, #tpu.memory_space<hbm>>
      %dma_start3A_164 = tpu.memref_squeeze %dma_start3A_163 : memref<1x1x16x512xf32, #tpu.memory_space<hbm>> -> memref<16x512xf32, #tpu.memory_space<hbm>>
      tpu.enqueue_dma source(%arg4 : memref<16x512xf32, #tpu.memory_space<vmem>>) target(%dma_start3A_164 : memref<16x512xf32, #tpu.memory_space<hbm>>) target_semaphore(%arg23 : memref<!tpu.dma_semaphore, #tpu.memory_space<semaphore_mem>>)
      %dma_start3A_165 = arith.constant 1 : i32
      %dma_start3A_166 = arith.constant 0 : i32
      %dma_start3A_167 = tpu.memref_slice %arg3[%add3A_31, %dma_start3A_165, %add3A_157, %dma_start3A_166] : memref<32x2x512x512xf32, #tpu.memory_space<hbm>> -> memref<1x1x16x512xf32, #tpu.memory_space<hbm>>
      %dma_start3A_168 = tpu.memref_squeeze %dma_start3A_167 : memref<1x1x16x512xf32, #tpu.memory_space<hbm>> -> memref<16x512xf32, #tpu.memory_space<hbm>>
      %dma_start3A_169 = arith.constant 0 : i32
      %dma_start3A_170 = tpu.memref_slice %arg3[%add3A_31, %dma_start3A_165, %add3A_157, %dma_start3A_169] : memref<32x2x512x512xf32, #tpu.memory_space<hbm>> -> memref<1x1x16x512xf32, #tpu.memory_space<hbm>>
      %dma_start3A_171 = tpu.memref_squeeze %dma_start3A_170 : memref<1x1x16x512xf32, #tpu.memory_space<hbm>> -> memref<16x512xf32, #tpu.memory_space<hbm>>
      tpu.enqueue_dma source(%arg5 : memref<16x512xf32, #tpu.memory_space<vmem>>) target(%dma_start3A_171 : memref<16x512xf32, #tpu.memory_space<hbm>>) target_semaphore(%arg24 : memref<!tpu.dma_semaphore, #tpu.memory_space<semaphore_mem>>)
      %add3A_172 = arith.constant 8192 : i32
      %add3A_173 = arith.addi %mul3A_0, %add3A_172 : i32
      %dma_start3A_174 = tpu.memref_slice %arg14[%add3A_173] : memref<262144xf32, #tpu.memory_space<vmem_shared>> -> memref<8192xf32, #tpu.memory_space<vmem_shared>>
      %dma_start3A_175 = tpu.memref_slice %arg14[%add3A_173] : memref<262144xf32, #tpu.memory_space<vmem_shared>> -> memref<8192xf32, #tpu.memory_space<vmem_shared>>
      tpu.enqueue_dma source(%arg6 : memref<8192xf32, #tpu.memory_space<vmem>>) target(%dma_start3A_175 : memref<8192xf32, #tpu.memory_space<vmem_shared>>) target_semaphore(%arg20 : memref<!tpu.dma_semaphore, #tpu.memory_space<semaphore_mem>>)
      %dma_start3A_176 = tpu.memref_slice %arg15[%add3A_173] : memref<262144xf32, #tpu.memory_space<vmem_shared>> -> memref<8192xf32, #tpu.memory_space<vmem_shared>>
      %dma_start3A_177 = tpu.memref_slice %arg15[%add3A_173] : memref<262144xf32, #tpu.memory_space<vmem_shared>> -> memref<8192xf32, #tpu.memory_space<vmem_shared>>
      tpu.enqueue_dma source(%arg6 : memref<8192xf32, #tpu.memory_space<vmem>>) target(%dma_start3A_177 : memref<8192xf32, #tpu.memory_space<vmem_shared>>) target_semaphore(%arg21 : memref<!tpu.dma_semaphore, #tpu.memory_space<semaphore_mem>>)
      %dma_start3A_178 = tpu.memref_slice %arg16[%add3A_173] : memref<262144xf32, #tpu.memory_space<vmem_shared>> -> memref<8192xf32, #tpu.memory_space<vmem_shared>>
      %dma_start3A_179 = tpu.memref_slice %arg16[%add3A_173] : memref<262144xf32, #tpu.memory_space<vmem_shared>> -> memref<8192xf32, #tpu.memory_space<vmem_shared>>
      tpu.enqueue_dma source(%arg6 : memref<8192xf32, #tpu.memory_space<vmem>>) target(%dma_start3A_179 : memref<8192xf32, #tpu.memory_space<vmem_shared>>) target_semaphore(%arg22 : memref<!tpu.dma_semaphore, #tpu.memory_space<semaphore_mem>>)
      %dma_wait3A_180 = arith.constant 0 : i32
      %dma_wait3A_181 = arith.constant 0 : i32
      %dma_wait3A_182 = tpu.memref_slice %arg3[%add3A_31, %dma_wait3A_180, %add3A_157, %dma_wait3A_181] : memref<32x2x512x512xf32, #tpu.memory_space<hbm>> -> memref<1x1x16x512xf32, #tpu.memory_space<hbm>>
      %dma_wait3A_183 = tpu.memref_squeeze %dma_wait3A_182 : memref<1x1x16x512xf32, #tpu.memory_space<hbm>> -> memref<16x512xf32, #tpu.memory_space<hbm>>
      %dma_wait3A_184 = arith.constant 0 : i32
      %dma_wait3A_185 = tpu.memref_slice %arg3[%add3A_31, %dma_wait3A_180, %add3A_157, %dma_wait3A_184] : memref<32x2x512x512xf32, #tpu.memory_space<hbm>> -> memref<1x1x16x512xf32, #tpu.memory_space<hbm>>
      %dma_wait3A_186 = tpu.memref_squeeze %dma_wait3A_185 : memref<1x1x16x512xf32, #tpu.memory_space<hbm>> -> memref<16x512xf32, #tpu.memory_space<hbm>>
      tpu.wait_dma2 semaphore(%arg23 : memref<!tpu.dma_semaphore, #tpu.memory_space<semaphore_mem>>) src(%arg4 : memref<16x512xf32, #tpu.memory_space<vmem>>) dst(%dma_wait3A_186 : memref<16x512xf32, #tpu.memory_space<hbm>>)
      %dma_wait3A_187 = arith.constant 1 : i32
      %dma_wait3A_188 = arith.constant 0 : i32
      %dma_wait3A_189 = tpu.memref_slice %arg3[%add3A_31, %dma_wait3A_187, %add3A_157, %dma_wait3A_188] : memref<32x2x512x512xf32, #tpu.memory_space<hbm>> -> memref<1x1x16x512xf32, #tpu.memory_space<hbm>>
      %dma_wait3A_190 = tpu.memref_squeeze %dma_wait3A_189 : memref<1x1x16x512xf32, #tpu.memory_space<hbm>> -> memref<16x512xf32, #tpu.memory_space<hbm>>
      %dma_wait3A_191 = arith.constant 0 : i32
      %dma_wait3A_192 = tpu.memref_slice %arg3[%add3A_31, %dma_wait3A_187, %add3A_157, %dma_wait3A_191] : memref<32x2x512x512xf32, #tpu.memory_space<hbm>> -> memref<1x1x16x512xf32, #tpu.memory_space<hbm>>
      %dma_wait3A_193 = tpu.memref_squeeze %dma_wait3A_192 : memref<1x1x16x512xf32, #tpu.memory_space<hbm>> -> memref<16x512xf32, #tpu.memory_space<hbm>>
      tpu.wait_dma2 semaphore(%arg24 : memref<!tpu.dma_semaphore, #tpu.memory_space<semaphore_mem>>) src(%arg5 : memref<16x512xf32, #tpu.memory_space<vmem>>) dst(%dma_wait3A_193 : memref<16x512xf32, #tpu.memory_space<hbm>>)
      %dma_wait3A_194 = tpu.memref_slice %arg14[%add3A_123] : memref<262144xf32, #tpu.memory_space<vmem_shared>> -> memref<8192xf32, #tpu.memory_space<vmem_shared>>
      %dma_wait3A_195 = tpu.memref_slice %arg14[%add3A_123] : memref<262144xf32, #tpu.memory_space<vmem_shared>> -> memref<8192xf32, #tpu.memory_space<vmem_shared>>
      tpu.wait_dma2 semaphore(%arg17 : memref<!tpu.dma_semaphore, #tpu.memory_space<semaphore_mem>>) src(%arg6 : memref<8192xf32, #tpu.memory_space<vmem>>) dst(%dma_wait3A_195 : memref<8192xf32, #tpu.memory_space<vmem_shared>>)
      %dma_wait3A_196 = tpu.memref_slice %arg15[%add3A_123] : memref<262144xf32, #tpu.memory_space<vmem_shared>> -> memref<8192xf32, #tpu.memory_space<vmem_shared>>
      %dma_wait3A_197 = tpu.memref_slice %arg15[%add3A_123] : memref<262144xf32, #tpu.memory_space<vmem_shared>> -> memref<8192xf32, #tpu.memory_space<vmem_shared>>
      tpu.wait_dma2 semaphore(%arg18 : memref<!tpu.dma_semaphore, #tpu.memory_space<semaphore_mem>>) src(%arg6 : memref<8192xf32, #tpu.memory_space<vmem>>) dst(%dma_wait3A_197 : memref<8192xf32, #tpu.memory_space<vmem_shared>>)
      %dma_wait3A_198 = tpu.memref_slice %arg16[%add3A_123] : memref<262144xf32, #tpu.memory_space<vmem_shared>> -> memref<8192xf32, #tpu.memory_space<vmem_shared>>
      %dma_wait3A_199 = tpu.memref_slice %arg16[%add3A_123] : memref<262144xf32, #tpu.memory_space<vmem_shared>> -> memref<8192xf32, #tpu.memory_space<vmem_shared>>
      tpu.wait_dma2 semaphore(%arg19 : memref<!tpu.dma_semaphore, #tpu.memory_space<semaphore_mem>>) src(%arg6 : memref<8192xf32, #tpu.memory_space<vmem>>) dst(%dma_wait3A_199 : memref<8192xf32, #tpu.memory_space<vmem_shared>>)
      %dma_wait3A_200 = tpu.memref_slice %arg14[%add3A_173] : memref<262144xf32, #tpu.memory_space<vmem_shared>> -> memref<8192xf32, #tpu.memory_space<vmem_shared>>
      %dma_wait3A_201 = tpu.memref_slice %arg14[%add3A_173] : memref<262144xf32, #tpu.memory_space<vmem_shared>> -> memref<8192xf32, #tpu.memory_space<vmem_shared>>
      tpu.wait_dma2 semaphore(%arg20 : memref<!tpu.dma_semaphore, #tpu.memory_space<semaphore_mem>>) src(%arg6 : memref<8192xf32, #tpu.memory_space<vmem>>) dst(%dma_wait3A_201 : memref<8192xf32, #tpu.memory_space<vmem_shared>>)
      %dma_wait3A_202 = tpu.memref_slice %arg15[%add3A_173] : memref<262144xf32, #tpu.memory_space<vmem_shared>> -> memref<8192xf32, #tpu.memory_space<vmem_shared>>
      %dma_wait3A_203 = tpu.memref_slice %arg15[%add3A_173] : memref<262144xf32, #tpu.memory_space<vmem_shared>> -> memref<8192xf32, #tpu.memory_space<vmem_shared>>
      tpu.wait_dma2 semaphore(%arg21 : memref<!tpu.dma_semaphore, #tpu.memory_space<semaphore_mem>>) src(%arg6 : memref<8192xf32, #tpu.memory_space<vmem>>) dst(%dma_wait3A_203 : memref<8192xf32, #tpu.memory_space<vmem_shared>>)
      %dma_wait3A_204 = tpu.memref_slice %arg16[%add3A_173] : memref<262144xf32, #tpu.memory_space<vmem_shared>> -> memref<8192xf32, #tpu.memory_space<vmem_shared>>
      %dma_wait3A_205 = tpu.memref_slice %arg16[%add3A_173] : memref<262144xf32, #tpu.memory_space<vmem_shared>> -> memref<8192xf32, #tpu.memory_space<vmem_shared>>
      tpu.wait_dma2 semaphore(%arg22 : memref<!tpu.dma_semaphore, #tpu.memory_space<semaphore_mem>>) src(%arg6 : memref<8192xf32, #tpu.memory_space<vmem>>) dst(%dma_wait3A_205 : memref<8192xf32, #tpu.memory_space<vmem_shared>>)
      %barrier3A_206 = arith.constant 0 : index
      tpu.barrier barrier_id(%barrier3A_206)
    }
    %scan3A_27 = arith.constant 16 : i32
    return
  }
}

</mosaic_0001>

<sc_bundles>
// kernel: kernel.3.cloned.1.call-start
scs
__scs_entry_jumppad:
0x0: {  	(pc) =	sbr.rel $0x88, $3  }
0x1: {  	(tag) =	ssettag $0x0;
	lr =	simm.s32 $0x1  }
0x2: {  	[smem:$0x3FA0] =	sst lr;
	_ =	strace $0xD0000000  }
0x3: {  	_ = 	snop  }
0x4: {  	_ = 	snop  }
0x5: {  	_ = 	snop  }
0x6: {  	_ = 	snop  }
0x7: {  	_ = 	snop  }
__scs_overlays_trampoline_lowered:
0x8: {  	[smem:$0x3FAF] =	sst s0  }
0x9: {  	[smem:$0x3FB0] =	sst s1  }
0xa: {  	[smem:$0x3FB1] =	sst s2  }
0xb: {  	[smem:$0x3FB2] =	sst s3  }
0xc: {  	[smem:$0x3FB3] =	sst s4  }
0xd: {  	[smem:$0x3FB4] =	sst s5  }
0xe: {  	[smem:$0x3FB5] =	sst s6  }
0xf: {  	[smem:$0x3FB6] =	sst s7  }
0x10: {  	[smem:$0x3FB7] =	sst s8  }
0x11: {  	[smem:$0x3FB8] =	sst s9;
	s0 =	simm.s32 @!p0 $0x0  }
0x12: {  	s1 =	sld [smem:$0x3F9E];
	s0 =	simm.s32 @p0 $0x1  }
0x13: {  	[smem:$0x3FB9] =	sst s0;
	s0 =	simm.s32 @!p1 $0x0  }
0x14: {  	s2 =	sld [smem:$0x3F9D];
	s0 =	simm.s32 @p1 $0x1  }
0x15: {  	[smem:$0x3FBA] =	sst s0;
	s0 =	simm.s32 @!p2 $0x0  }
0x16: {  	s3 =	sld [smem:$0x3FDB];
	s0 =	simm.s32 @p2 $0x1  }
0x17: {  	s4 =	simm.s32 $0x1BF5;
	[smem:$0x3FBC] =	sst s0  }
0x18: {  	s0 =	sld [smem:$0x3F9F];
	_ =	swait.ge [sflag:s4], $0x0  }
0x19: {  	s7 =	sld [smem:$0x3FA0]  }
0x1a: {  	s8 =	sadd.s32 $0xFFFFE003, lr  }
0x1b: {  	s9 =	sadd.s32 $0xFFFFFEF7, lr;
	s5 =	simm.s32 $0xFFFFFFFF;
	p2 =	slt.u32 s8, $0xFFFFF086  }
0x1c: {  	p1 =	slt.u32 s9, $0xF7A;
	s5 =	simm.s32 @!p2 $0x0  }
0x1d: {  	s5 =	simm.s32 @p1 $0x1;
	p0 =	seq.s32 s7, s2  }
0x1e: {  	s7 =	smul.u32 @!p0 $0xF7A, s2;
	p2 =	seq.s32 @!p0 s5, $0x0  }
0x1f: {  	s9 =	smul.u32 $0xF7A, s1;
	s8 =	simm.s32 @!p0 $0x1BF5;
	p2 =	por !p2, p0  }
0x20: {  	[sflag:s8] =	ssyncset.s32 @!p0 $0xFFFFF086;
	s6 =	sadd.s32 @!p0 s3, s7;
	s7 =	simm.s32 @!p0 $0x108  }
0x21: {  	s3 =	sadd.s32 s3, s9;
	s6 =	sadd.s32 @!p0 $0x88, s6;
	s7 =	simm.s32 @p2 $0x1082  }
0x22: {  	[simem:s7], [sflag:s8] =	dma.local @!p0 [hbm:s6], $0xF7A  }
0x23: {  	s9 =	sor.u32 $0xD0000000, s2;
	s6 =	simm.s32 $0x108;
	_ =	swait.ge @!p0 [sflag:s8], $0x0  }
0x24: {  	s3 =	sadd.s32 $0x88, s3;
	s6 =	simm.s32 @!p1 $0x1082;
	[sflag:s4] =	ssyncset.s32 $0xFFFFF086  }
0x25: {  	[simem:s6], [sflag:s4] =	dma.local [hbm:s3], $0xF7A  }
0x26: {  	[smem:$0x3FA0] =	sst s1;
	(tag) =	ssettag s2;
	_ =	strace s9  }
0x27: {  	s1 =	sld [smem:$0x3FB0]  }
0x28: {  	s2 =	sld [smem:$0x3FB1]  }
0x29: {  	s4 =	sld [smem:$0x3FB3]  }
0x2a: {  	p0 =	seq.s32 s5, $0x0;
	s5 =	sld [smem:$0x3FB4]  }
0x2b: {  	s6 =	sld [smem:$0x3FB5]  }
0x2c: {  	s7 =	sld [smem:$0x3FB6]  }
0x2d: {  	s3 =	simm.s32 $0x108;
	s8 =	sld [smem:$0x3FB7]  }
0x2e: {  	s3 =	simm.s32 @!p0 $0x1082;
	s9 =	sld [smem:$0x3FB8]  }
0x2f: {  	lr =	sadd.s32 s0, s3;
	s0 =	sld [smem:$0x3FAF]  }
0x30: {  	s3 =	sld [smem:$0x3FB2]  }
0x31: {  	[smem:$0x3FBB] =	sst s10  }
0x32: {  	s10 =	sld [smem:$0x3FB9];
	_ =	sdelay $0x3  }
0x33: {  	p0 =	seq.s32 s10, $0x1;
	s10 =	sld [smem:$0x3FBB];
	_ =	sdelay $0x3  }
0x34: {  	[smem:$0x3FBB] =	sst s10  }
0x35: {  	s10 =	sld [smem:$0x3FBA];
	_ =	sdelay $0x3  }
0x36: {  	p1 =	seq.s32 s10, $0x1;
	s10 =	sld [smem:$0x3FBB];
	_ =	sdelay $0x3  }
0x37: {  	[smem:$0x3FBB] =	sst s10  }
0x38: {  	s10 =	sld [smem:$0x3FBC]  }
0x39: {  	_ = 	snop;
	(pc) =	sbr.ind lr, $3  }
0x3a: {  	_ = 	snop  }
0x3b: {  	_ = 	snop  }
0x3c: {  	p2 =	seq.s32 s10, $0x1;
	s10 =	sld [smem:$0x3FBB]  }
0x3d: {  	_ =	shalt  }
0x3e: {  	_ =	shalt  }
0x3f: {  	_ =	shalt  }
0x40: {  	_ =	shalt  }
0x41: {  	_ =	shalt  }
0x42: {  	_ =	shalt  }
0x43: {  	_ =	shalt  }
0x44: {  	_ =	shalt  }
0x45: {  	_ =	shalt  }
0x46: {  	_ =	shalt  }
0x47: {  	_ =	shalt  }
0x48: {  	_ =	shalt  }
0x49: {  	_ =	shalt  }
0x4a: {  	_ =	shalt  }
0x4b: {  	_ =	shalt  }
0x4c: {  	_ =	shalt  }
0x4d: {  	_ =	shalt  }
0x4e: {  	_ =	shalt  }
0x4f: {  	_ =	shalt  }
0x50: {  	_ =	shalt  }
0x51: {  	_ =	shalt  }
0x52: {  	_ =	shalt  }
0x53: {  	_ =	shalt  }
0x54: {  	_ =	shalt  }
0x55: {  	_ =	shalt  }
0x56: {  	_ =	shalt  }
0x57: {  	_ =	shalt  }
0x58: {  	_ =	shalt  }
0x59: {  	_ =	shalt  }
0x5a: {  	_ =	shalt  }
0x5b: {  	_ =	shalt  }
0x5c: {  	_ =	shalt  }
0x5d: {  	_ =	shalt  }
0x5e: {  	_ =	shalt  }
0x5f: {  	_ =	shalt  }
0x60: {  	_ =	shalt  }
0x61: {  	_ =	shalt  }
0x62: {  	_ =	shalt  }
0x63: {  	_ =	shalt  }
0x64: {  	_ =	shalt  }
0x65: {  	_ =	shalt  }
0x66: {  	_ =	shalt  }
0x67: {  	_ =	shalt  }
0x68: {  	_ =	shalt  }
0x69: {  	_ =	shalt  }
0x6a: {  	_ =	shalt  }
0x6b: {  	_ =	shalt  }
0x6c: {  	_ =	shalt  }
0x6d: {  	_ =	shalt  }
0x6e: {  	_ =	shalt  }
0x6f: {  	_ =	shalt  }
0x70: {  	_ =	shalt  }
0x71: {  	_ =	shalt  }
0x72: {  	_ =	shalt  }
0x73: {  	_ =	shalt  }
0x74: {  	_ =	shalt  }
0x75: {  	_ =	shalt  }
0x76: {  	_ =	shalt  }
0x77: {  	_ =	shalt  }
0x78: {  	_ =	shalt  }
0x79: {  	_ =	shalt  }
0x7a: {  	_ =	shalt  }
0x7b: {  	_ =	shalt  }
0x7c: {  	_ =	shalt  }
0x7d: {  	_ =	shalt  }
0x7e: {  	_ =	shalt  }
0x7f: {  	_ =	shalt  }
0x80: {  	_ =	shalt  }
0x81: {  	_ =	shalt  }
0x82: {  	_ =	shalt  }
0x83: {  	_ =	shalt  }
0x84: {  	_ =	shalt  }
0x85: {  	_ =	shalt  }
0x86: {  	_ =	shalt  }
0x87: {  	_ =	shalt  }
.Lfunc_end0:
.L_simem_size_0:
called_computation_lowered:
.L_overlay_start_0:
0x88: {  	s2 =	sld [smem:$0x3FD9]  }
0x89: {  	s3 =	sld [smem:$0x3FFE];
	_ =	sdelay $0x1  }
0x8a: {  	s1 =	srdreg.scid  }
0x8b: {  	s0 =	sand.u32 $0x1, s1  }
0x8c: {  	s18 =	sshll.u32 s0, $0xA;
	s2 =	sadd.s32 s3, s2  }
0x8d: {  	s2 =	sadd.s32 s2, s18  }
0x8e: {  	[smem:$0x3FC7] =	sst s2  }
0x8f: {  	_ = 	snop  }
0x90: {  	s2 =	sld [smem:$0x3FC9]  }
0x91: {  	s19 =	sld [smem:$0x3FD0];
	(tm) =	ssettm $0x1  }
0x92: {  	s4 =	sld [smem:$0x3FFB];
	_ =	sdelay $0x3  }
0x93: {  	_ =	strace s4  }
0x94: {  	s4 =	sld [smem:$0x3FFC];
	_ =	sdelay $0x3  }
0x95: {  	_ =	strace s4  }
0x96: {  	s4 =	sld [smem:$0x3FFD];
	_ =	sdelay $0x3  }
0x97: {  	_ =	strace s4  }
0x98: {  	_ =	strace $0x8FFFFFFF  }
0x99: {  	s20 =	sld [smem:$0x3FDB];
	_ =	sdelay $0x1  }
0x9a: {  	s5 =	simm.s32 $_scs_section_size  }
0x9b: {  	s6 =	simm.s32 $_size__tile_overlayer_lowered;
	s7 =	simm.s32 $_tile_overlayer_lowered  }
0x9c: {  	s23 =	simm.s32 $0x1BFF;
	s22 =	sshll.u32 s7, $0x1;
	s4 =	sadd.s32 s5, s20  }
0x9d: {  	s8 =	simm.s32 $0x0;
	s21 =	sshll.u32 s6, $0x1;
	s6 =	sadd.s32 s22, s4  }
0x9e: {  	[timem:s8], [sflag:s23] =	dma.local [hbm:s6], s21  }
0x9f: {  	_ =	swait.ge [sflag:s23], s21  }
0xa0: {  	s5 =	ssub.s32 $0x0, s21;
	[sflag:s23] =	ssyncset.done $0x0  }
0xa1: {  	[sflag:s23] =	ssyncadd.s32 s5;
	_ =	sdelay $0x1  }
0xa2: {  	s24 =	simm.s32 $0x1B8B  }
0xa3: {  	_ =	swait.ge [sflag:s24], $0x1  }
0xa4: {  	[sflag:s24] =	ssyncset.done $0x0  }
0xa5: {  	s25 =	simm.s32 $0x1B8E;
	[sflag:s24] =	ssyncadd.s32 $0xFFFFFFFF  }
0xa6: {  	s26 =	simm.s32 $execute0_lowered;
	[smem:$0x3FD2] =	sst s25  }
0xa7: {  	s5 =	sshll.u32 s26, $0x1;
	_ =	strace $0x80000046;
	[dreg:$0x1] =	wrdreg $0xFFFFFFFF  }
0xa8: {  	s28 =	simm.s32 $_size_execute0_lowered;
	s4 =	sadd.s32 s4, s5;
	[dreg:$0x0] =	wrdreg $0x0  }
0xa9: {  	s5 =	sshll.u32 s28, $0x1;
	[dreg:$0x2] =	wrdreg s4  }
0xaa: {  	[dreg:$0x3] =	wrdreg s5  }
0xab: {  	[dreg:$0x4] =	wrdreg $0xC0  }
0xac: {  	_ =	task [dreg:s8], $0x5FFFF  }
0xad: {  	[dreg:$0x1] =	wrdreg $0xFFFFFFFF  }
0xae: {  	[dreg:$0x0] =	wrdreg $0x60  }
0xaf: {  	[dreg:$0x2] =	wrdreg s2  }
0xb0: {  	[dreg:$0x3] =	wrdreg s19  }
0xb1: {  	[dreg:$0x4] =	wrdreg $0x140000  }
0xb2: {  	[dreg:$0x5] =	wrdreg $0x180000  }
0xb3: {  	[dreg:$0x6] =	wrdreg $0x1C0000  }
0xb4: {  	[dreg:$0x7] =	wrdreg $0x9  }
0xb5: {  	_ =	task.clear_ibuf [dreg:s8], $0x8FFFF;
	_ =	strace $0x90000046  }
0xb6: {  	s29 =	simm.s32 $0x9;
	_ =	strace $0x80000048  }
0xb7: {  	_ =	swait.ge [sflag:s29], $0x1  }
0xb8: {  	[sflag:s29] =	ssyncadd.s32 $0xFFFFFFFF  }
0xb9: {  	_ =	strace $0x90000048  }
0xba: {  	_ =	sfence  }
0xbb: {  	s30 =	sld [smem:$0x0];
	_ =	sdelay $0x2  }
0xbc: {  	s31 =	sshll.u32 s1, $0xD;
	s1 =	sshrl.u32 s1, $0x2  }
0xbd: {  	s3 =	sand.u32 $0x4000, s31;
	s1 =	sadd.s32 s1, s30  }
0xbe: {  	s0 =	sor.u32 s3, s0;
	s1 =	sshll.u32 s1, $0x11  }
0xbf: {  	s0 =	sor.u32 s1, s0  }
0xc0: {  	s0 =	sadd.s32 $0x8F2B, s0  }
0xc1: {  	[sflag:s0] =	ssyncadd.remote.s32 $0x1  }
0xc2: {  	_ =	sfence.sel $0xFFFF  }
0xc3: {  	[dreg:$0x0] =	wrdreg $0xFFFFFFFF;
	(pc) =	sbr.abs _section_cstart, $3  }
0xc4: {  	[dreg:$0x1] =	wrdreg $0xFFFFFFFF  }
0xc5: {  	_ =	task.clear_ibuf [dreg:s8], $0x2FFFF;
	_ =	strace $0x9FFFFFFF  }
0xc6: {  	(tm) =	ssettm $0x7FFFFFFF  }
0xc7: {  	_ =	shalt  }
tec
execute0_lowered:
.L_overlay_start_1:
0x0: {  	(tag) =	ssettag $0x1  }
0x1: {  	v0 =	vimm.f32 $1.500000000e+01;
	vm0 =	vcmask $0x300  }
0x2: {  	s19 =	rddreg [dreg:$0x0];
	vm14 =	vcmask $0x704;
	v0 =	vsel vm0, $0x0, v0  }
0x3: {  	s31 =	rddreg [dreg:$0x2];
	vm15 =	vcmask $0xB08;
	v0 =	vsel vm14, $0x3F800000, v0  }
0x4: {  	s3 =	rddreg [dreg:$0x3];
	vm4 =	vcmask $0xF0C;
	v0 =	vsel vm15, $0x40000000, v0  }
0x5: {  	s4 =	rddreg [dreg:$0x4];
	s0 =	srdreg.scid;
	s2 =	simm.s32 $0x0;
	vm5 =	vcmask $0x1310;
	v0 =	vsel vm4, $0x40400000, v0  }
0x6: {  	s5 =	stileid.u32;
	vm6 =	vcmask $0x1714;
	s30 =	simm.s32 $0x4000;
	s0 =	sand.u32 $0x1, s0;
	v0 =	vsel vm5, $0x40800000, v0  }
0x7: {  	vm7 =	vcmask $0x1B18;
	[smem:$0x7FF] =	sst s2;
	s6 =	sshll.u32 s5, $0xE;
	s1 =	ssub.s32 $0x2, s0;
	v0 =	vsel vm6, $0x40A00000, v0  }
0x8: {  	vm8 =	vcmask $0x1F1C;
	_ =	strace $0x80000047;
	[dreg:$0x6] =	wrdreg s6;
	s0 =	sshll.u32 s0, $0x17;
	v0 =	vsel vm7, $0x40C00000, v0  }
0x9: {  	vm9 =	vcmask $0x2320;
	s9 =	sshll.u32 s5, $0x5;
	s23 =	sadd.s32 s6, s31;
	[dreg:$0xc] =	wrdreg s0;
	v0 =	vsel vm8, $0x40E00000, v0  }
0xa: {  	vm10 =	vcmask $0x2724;
	s21 =	sor.u32 $0x2000, s6;
	s26 =	sadd.s32 s6, s3;
	[dreg:$0x7] =	wrdreg s23;
	v0 =	vsel vm9, $0x41000000, v0  }
0xb: {  	vm11 =	vcmask $0x2B28;
	s29 =	sadd.s32 s6, s4;
	s17 =	sor.u32 $0x10, s9;
	[dreg:$0x9] =	wrdreg s26;
	v0 =	vsel vm10, $0x41100000, v0  }
0xc: {  	vm12 =	vcmask $0x2F2C;
	s20 =	sshrl.u32 s1, $0x1;
	s22 =	sshll.u32 s17, $0x9;
	[dreg:$0xa] =	wrdreg s29;
	v0 =	vsel vm11, $0x41200000, v0  }
0xd: {  	vm13 =	vcmask $0x3330;
	s24 =	sadd.s32 s21, s31;
	s3 =	sadd.s32 s21, s3;
	[dreg:$0xd] =	wrdreg s22;
	v0 =	vsel vm12, $0x41300000, v0  }
0xe: {  	vm14 =	vcmask $0x3734;
	s28 =	sadd.s32 s21, s4;
	s1 =	ssub.s32 s1, s20;
	[dreg:$0x8] =	wrdreg s24;
	v0 =	vsel vm13, $0x41400000, v0  }
0xf: {  	s21 =	simm.s32 $0x9;
	vm15 =	vcmask $0x3B38;
	[dreg:$0xb] =	wrdreg s28;
	s25 =	smax.u32 s1, $0x1;
	v1 =	vsel vm14, $0x41500000, v0  }
0x10: {  	s22 =	simm.s32 $0x2000;
	s1 =	simm.s32 $0x0;
	[dreg:$0xe] =	wrdreg s25;
	v0 =	vimm.f32 $0.0e+00;
	v1 =	vsel vm15, $0x41600000, v1  }
.LBB2_1:
0x11: {  	[dreg:$0xf] =	wrdreg s1;
	s0 =	simm.s32 $0x40;
	s1 =	simm.s32 $0x0  }
.LBB2_2:
0x12: {  	p0 =	sne.s32 s0, $0x7FC0;
	[tilespmem:s1+$0x4000] =	vst v0;
	s1 =	smov.u32 s0;
	s0 =	sadd.s32 $0x40, s0  }
.Ltmp0:
0x13: {  	(pc) =	sbr.rel @p0 .LBB2_2-.Ltmp0, $2  }
0x14: {  	_ =	sdelay $0x2  }
0x15: {  	s1 =	sshra.s32 s1, $0x2  }
0x16: {  	[tilespmem:s1+$0x4000] =	vst v0  }
0x17: {  	[spmem:s23] =	stream.linear.scatter [tilespmem:s30], [sflag:$0x9], $0x2000, $0x38;
	v63 =	vld [tilespmem:$0x0]  }
0x18: {  	_ =	swait.ge [sflag:s21], $0x2000  }
0x19: {  	[sflag:s21] =	ssyncset.done $0x0  }
0x1a: {  	[sflag:s21] =	ssyncadd.s32 $0xFFFFE000  }
0x1b: {  	[spmem:s24] =	stream.linear.scatter [tilespmem:s30], [sflag:$0x9], $0x2000, $0x38;
	v63 =	vld [tilespmem:$0x0]  }
0x1c: {  	_ =	swait.ge [sflag:s21], $0x2000  }
0x1d: {  	[sflag:s21] =	ssyncset.done $0x0  }
0x1e: {  	[sflag:s21] =	ssyncadd.s32 $0xFFFFE000  }
0x1f: {  	[spmem:s26] =	stream.linear.scatter [tilespmem:s30], [sflag:$0x9], $0x2000, $0x38;
	v63 =	vld [tilespmem:$0x0]  }
0x20: {  	_ =	swait.ge [sflag:s21], $0x2000  }
0x21: {  	[sflag:s21] =	ssyncset.done $0x0  }
0x22: {  	[sflag:s21] =	ssyncadd.s32 $0xFFFFE000  }
0x23: {  	[spmem:s3] =	stream.linear.scatter [tilespmem:s30], [sflag:$0x9], $0x2000, $0x38;
	v63 =	vld [tilespmem:$0x0]  }
0x24: {  	_ =	swait.ge [sflag:s21], $0x2000  }
0x25: {  	[sflag:s21] =	ssyncset.done $0x0  }
0x26: {  	[sflag:s21] =	ssyncadd.s32 $0xFFFFE000  }
0x27: {  	[spmem:s29] =	stream.linear.scatter [tilespmem:s30], [sflag:$0x9], $0x2000, $0x38;
	v63 =	vld [tilespmem:$0x0]  }
0x28: {  	_ =	swait.ge [sflag:s21], $0x2000  }
0x29: {  	[sflag:s21] =	ssyncset.done $0x0  }
0x2a: {  	[sflag:s21] =	ssyncadd.s32 $0xFFFFE000  }
0x2b: {  	[spmem:s28] =	stream.linear.scatter [tilespmem:s30], [sflag:$0x9], $0x2000, $0x38;
	v63 =	vld [tilespmem:$0x0]  }
0x2c: {  	_ =	swait.ge [sflag:s21], $0x2000  }
0x2d: {  	[sflag:s21] =	ssyncset.done $0x0  }
0x2e: {  	[sflag:s21] =	ssyncadd.s32 $0xFFFFE000  }
0x2f: {  	s16 =	simm.s32 $0x0;
	[bflag:$0x0] =	sbarrier.arrive $0xFFFF  }
.LBB2_4:
0x30: {  	s0 =	sshll.u32 s16, $0x13;
	s1 =	rddreg [dreg:$0xc]  }
0x31: {  	s23 =	rddreg [dreg:$0x6];
	s25 =	sadd.s32 s1, s0  }
0x32: {  	s0 =	sor.u32 s23, s25  }
0x33: {  	s18 =	sshrl.u32 s0, $0x3  }
0x34: {  	s24 =	simm.s32 $0x0;
	s0 =	sadd.s32 s19, s18  }
0x35: {  	[tilespmem:s24], [sflag:$0x9] =	stream.linear.gather [hbm4b:s0+s24], $0x2000, $0x38;
	v63 =	vld [tilespmem:$0x0]  }
0x36: {  	_ =	swait.ge [sflag:s21], $0x2000  }
0x37: {  	s26 =	sor.u32 $0x8000, s18;
	[sflag:s21] =	ssyncset.done $0x0  }
0x38: {  	s0 =	sadd.s32 s19, s26;
	[dreg:$0x10] =	wrdreg s26;
	[sflag:s21] =	ssyncadd.s32 $0xFFFFE000  }
0x39: {  	[tilespmem:s22], [sflag:$0x9] =	stream.linear.gather [hbm4b:s0+s24], $0x2000, $0x38;
	v63 =	vld [tilespmem:$0x0]  }
0x3a: {  	s2 =	simm.s32 $0x4000;
	s28 =	simm.s32 $0xA020;
	_ =	swait.ge [sflag:s21], $0x2000  }
0x3b: {  	s29 =	simm.s32 $0x8020;
	s30 =	simm.s32 $0x6020;
	[sflag:s21] =	ssyncset.done $0x0  }
0x3c: {  	s8 =	simm.s32 $0x4020;
	s23 =	simm.s32 $0x0;
	[sflag:s21] =	ssyncadd.s32 $0xFFFFE000  }
.LBB2_5:
0x3d: {  	s0 =	sshll.u32 s23, $0x9;
	s1 =	sshll.u32 s23, $0x7  }
0x3e: {  	s4 =	simm.s32 $0x0;
	s0 =	sand.u32 $0x1000, s0;
	s1 =	sand.u32 $0x380, s1  }
0x3f: {  	s5 =	sand.u32 $0x40, s4;
	s0 =	sor.u32 s0, s1  }
0x40: {  	s7 =	sand.u32 $0xC00, s4;
	s5 =	sor.u32 s0, s5  }
0x41: {  	s5 =	sor.u32 s7, s5  }
0x42: {  	v3 =	vld [tilespmem:s5+$0x2000]  }
0x43: {  	s6 =	sor.u32 s9, s23;
	v4 =	vld [tilespmem:s5+$0x0]  }
0x44: {  	s10 =	scvt.s32.f32 s6;
	s4 =	scvt.s32.f32 s4  }
0x45: {  	_ = 	snop  }
0x46: {  	v2 =	vmov s10;
	v5 =	vadd.f32 s4, v1  }
0x47: {  	v6 =	vadd.f32 v3, v2  }
0x48: {  	v5 =	vadd.f32 v4, v5  }
0x49: {  	v7 =	vtrunc.f32 v6  }
0x4a: {  	vm0 =	vge.f32 v6, $0.0e+00;
	v8 =	vtrunc.f32 v5;
	v7 =	vcvt.f32.s32 v7  }
0x4b: {  	vm1 =	vge.f32 v5, $0.0e+00;
	vm2 =	vlt.f32 v5, $5.120000000e+02;
	v5 =	vcvt.f32.s32 v8  }
0x4c: {  	v4 =	vsub.f32 $0.0e+00, v4;
	vm0 =	vmand vm1, vm0;
	v7 =	vshll.u32 v7, $0x9  }
0x4d: {  	vm15 =	vlt.f32 v6, $5.120000000e+02;
	vm0 =	vmand vm0, vm2;
	v5 =	vadd.s32 v5, v7  }
0x4e: {  	v3 =	vsub.f32 $0.0e+00, v3;
	vm0 =	vmand vm15, vm0;
	v5 =	vand.u32 $0x3FFFF, v5  }
0x4f: {  	s11 =	simm.s32 $0x10;
	v4 =	vnsel vm0, $0x0, v4;
	[tilespmem:s28+$0xFFFFFFE0] =	vst v5  }
0x50: {  	s12 =	sand.u32 $0x50, s11;
	v3 =	vnsel vm0, $0x0, v3;
	[tilespmem:s8+$0xFFFFFFE0] =	vst v4  }
0x51: {  	s5 =	sor.u32 s0, s12;
	[tilespmem:s30+$0xFFFFFFE0] =	vst v3;
	v3 =	vsel vm0, $0x3F800000, v0  }
0x52: {  	s5 =	sor.u32 s7, s5;
	[tilespmem:s29+$0xFFFFFFE0] =	vst v3  }
0x53: {  	v3 =	vld [tilespmem:s5+$0x2000]  }
0x54: {  	v4 =	vld [tilespmem:s5+$0x0]  }
0x55: {  	s4 =	scvt.s32.f32 s11;
	_ =	sdelay $0x1  }
0x56: {  	v5 =	vadd.f32 s4, v1  }
0x57: {  	v54 =	vadd.f32 v3, v2  }
0x58: {  	v5 =	vadd.f32 v4, v5  }
0x59: {  	v55 =	vtrunc.f32 v54  }
0x5a: {  	vm4 =	vge.f32 v54, $0.0e+00;
	v56 =	vtrunc.f32 v5;
	v7 =	vcvt.f32.s32 v55  }
0x5b: {  	vm5 =	vge.f32 v5, $0.0e+00;
	vm6 =	vlt.f32 v5, $5.120000000e+02;
	v5 =	vcvt.f32.s32 v56  }
0x5c: {  	v4 =	vsub.f32 $0.0e+00, v4;
	vm0 =	vmand vm5, vm4;
	v7 =	vshll.u32 v7, $0x9  }
0x5d: {  	vm7 =	vlt.f32 v54, $5.120000000e+02;
	vm0 =	vmand vm0, vm6;
	v5 =	vadd.s32 v5, v7  }
0x5e: {  	v3 =	vsub.f32 $0.0e+00, v3;
	vm0 =	vmand vm7, vm0;
	v5 =	vand.u32 $0x3FFFF, v5  }
0x5f: {  	s13 =	simm.s32 $0x20;
	v4 =	vnsel vm0, $0x0, v4;
	[tilespmem:s28+$0xFFFFFFF0] =	vst v5  }
0x60: {  	s14 =	sand.u32 $0x60, s13;
	v3 =	vnsel vm0, $0x0, v3;
	[tilespmem:s8+$0xFFFFFFF0] =	vst v4  }
0x61: {  	s5 =	sor.u32 s0, s14;
	[tilespmem:s30+$0xFFFFFFF0] =	vst v3;
	v3 =	vsel vm0, $0x3F800000, v0  }
0x62: {  	s5 =	sor.u32 s7, s5;
	[tilespmem:s29+$0xFFFFFFF0] =	vst v3  }
0x63: {  	v3 =	vld [tilespmem:s5+$0x2000]  }
0x64: {  	v4 =	vld [tilespmem:s5+$0x0]  }
0x65: {  	s4 =	scvt.s32.f32 s13;
	_ =	sdelay $0x1  }
0x66: {  	v5 =	vadd.f32 s4, v1  }
0x67: {  	v57 =	vadd.f32 v3, v2  }
0x68: {  	v5 =	vadd.f32 v4, v5  }
0x69: {  	v58 =	vtrunc.f32 v57  }
0x6a: {  	vm8 =	vge.f32 v57, $0.0e+00;
	v59 =	vtrunc.f32 v5;
	v7 =	vcvt.f32.s32 v58  }
0x6b: {  	vm9 =	vge.f32 v5, $0.0e+00;
	vm10 =	vlt.f32 v5, $5.120000000e+02;
	v5 =	vcvt.f32.s32 v59  }
0x6c: {  	v4 =	vsub.f32 $0.0e+00, v4;
	vm0 =	vmand vm9, vm8;
	v7 =	vshll.u32 v7, $0x9  }
0x6d: {  	vm11 =	vlt.f32 v57, $5.120000000e+02;
	vm0 =	vmand vm0, vm10;
	v5 =	vadd.s32 v5, v7  }
0x6e: {  	v3 =	vsub.f32 $0.0e+00, v3;
	vm0 =	vmand vm11, vm0;
	v5 =	vand.u32 $0x3FFFF, v5  }
0x6f: {  	s15 =	simm.s32 $0x30;
	v4 =	vnsel vm0, $0x0, v4;
	[tilespmem:s28+$0x0] =	vst v5  }
0x70: {  	s20 =	sand.u32 $0x70, s15;
	v3 =	vnsel vm0, $0x0, v3;
	[tilespmem:s8+$0x0] =	vst v4  }
0x71: {  	s5 =	sor.u32 s0, s20;
	[tilespmem:s30+$0x0] =	vst v3;
	v3 =	vsel vm0, $0x3F800000, v0  }
0x72: {  	s1 =	sor.u32 s7, s5;
	[tilespmem:s29+$0x0] =	vst v3  }
0x73: {  	v3 =	vld [tilespmem:s1+$0x2000]  }
0x74: {  	v4 =	vld [tilespmem:s1+$0x0]  }
0x75: {  	s24 =	scvt.s32.f32 s15;
	_ =	sdelay $0x1  }
0x76: {  	v5 =	vadd.f32 s24, v1  }
0x77: {  	v60 =	vadd.f32 v3, v2  }
0x78: {  	v5 =	vadd.f32 v4, v5  }
0x79: {  	v61 =	vtrunc.f32 v60  }
0x7a: {  	vm12 =	vge.f32 v60, $0.0e+00;
	v62 =	vtrunc.f32 v5;
	v7 =	vcvt.f32.s32 v61  }
0x7b: {  	vm13 =	vge.f32 v5, $0.0e+00;
	vm14 =	vlt.f32 v5, $5.120000000e+02;
	v5 =	vcvt.f32.s32 v62  }
0x7c: {  	v4 =	vsub.f32 $0.0e+00, v4;
	vm0 =	vmand vm13, vm12;
	v7 =	vshll.u32 v7, $0x9  }
0x7d: {  	vm15 =	vlt.f32 v60, $5.120000000e+02;
	vm0 =	vmand vm0, vm14;
	v5 =	vadd.s32 v5, v7  }
0x7e: {  	s15 =	simm.s32 $0x200;
	s12 =	simm.s32 $0x40;
	v3 =	vsub.f32 $0.0e+00, v3;
	vm0 =	vmand vm15, vm0;
	v5 =	vand.u32 $0x3FFFF, v5  }
0x7f: {  	s10 =	sadd.s32 $0x40, s30;
	s11 =	sadd.s32 $0x40, s29;
	s26 =	sand.u32 $0x40, s12;
	v4 =	vnsel vm0, $0x0, v4;
	[tilespmem:s28+$0x10] =	vst v5  }
0x80: {  	s6 =	sor.u32 s0, s26;
	s13 =	sand.u32 $0xC00, s15;
	s14 =	smov.u32 s28;
	v3 =	vnsel vm0, $0x0, v3;
	[tilespmem:s8+$0x10] =	vst v4  }
0x81: {  	s4 =	simm.s32 $0x80;
	s5 =	smov.u32 s29;
	s1 =	sadd.s32 $0x40, s8;
	[tilespmem:s30+$0x10] =	vst v3;
	v3 =	vsel vm0, $0x3F800000, v0  }
.LBB2_6:
0x82: {  	s6 =	sor.u32 s13, s6;
	s14 =	sadd.s32 $0x40, s14;
	s26 =	smov.u32 s4  }
0x83: {  	[tilespmem:s5+$0x10] =	vst v3;
	s7 =	sadd.s32 $0x40, s4;
	s20 =	smov.u32 s1;
	s24 =	smov.u32 s10  }
0x84: {  	p0 =	sne.s32 s4, $0x1C0;
	s5 =	smov.u32 s11;
	v3 =	vld [tilespmem:s6+$0x2000]  }
0x85: {  	v4 =	vld [tilespmem:s6+$0x0]  }
0x86: {  	s4 =	scvt.s32.f32 s12;
	_ =	sdelay $0x1  }
0x87: {  	v5 =	vadd.f32 s4, v1  }
0x88: {  	v6 =	vadd.f32 v3, v2  }
0x89: {  	v5 =	vadd.f32 v4, v5  }
0x8a: {  	vm0 =	vge.f32 v6, $0.0e+00;
	v7 =	vtrunc.f32 v6  }
0x8b: {  	vm1 =	vge.f32 v5, $0.0e+00;
	v8 =	vtrunc.f32 v5;
	v7 =	vcvt.f32.s32 v7  }
0x8c: {  	vm2 =	vlt.f32 v5, $5.120000000e+02;
	vm0 =	vmand vm1, vm0;
	v5 =	vcvt.f32.s32 v8  }
0x8d: {  	vm1 =	vlt.f32 v6, $5.120000000e+02;
	vm0 =	vmand vm0, vm2;
	v6 =	vshll.u32 v7, $0x9  }
0x8e: {  	v4 =	vsub.f32 $0.0e+00, v4;
	vm0 =	vmand vm1, vm0;
	v5 =	vadd.s32 v5, v6  }
0x8f: {  	v3 =	vsub.f32 $0.0e+00, v3;
	v5 =	vand.u32 $0x3FFFF, v5  }
0x90: {  	s4 =	sadd.s32 $0x10, s12;
	v4 =	vnsel vm0, $0x0, v4;
	[tilespmem:s14+$0xFFFFFFE0] =	vst v5  }
0x91: {  	s6 =	sand.u32 $0x50, s4;
	s4 =	scvt.s32.f32 s4;
	v3 =	vnsel vm0, $0x0, v3;
	[tilespmem:s1+$0xFFFFFFE0] =	vst v4  }
0x92: {  	s6 =	sor.u32 s0, s6;
	[tilespmem:s10+$0xFFFFFFE0] =	vst v3;
	v3 =	vsel vm0, $0x3F800000, v0  }
0x93: {  	s6 =	sor.u32 s13, s6;
	[tilespmem:s11+$0xFFFFFFE0] =	vst v3  }
0x94: {  	v3 =	vld [tilespmem:s6+$0x2000]  }
0x95: {  	v4 =	vld [tilespmem:s6+$0x0];
	_ =	sdelay $0x2  }
0x96: {  	v5 =	vadd.f32 s4, v1  }
0x97: {  	v6 =	vadd.f32 v3, v2  }
0x98: {  	v5 =	vadd.f32 v4, v5  }
0x99: {  	vm0 =	vge.f32 v6, $0.0e+00;
	v7 =	vtrunc.f32 v6  }
0x9a: {  	vm1 =	vge.f32 v5, $0.0e+00;
	v8 =	vtrunc.f32 v5;
	v7 =	vcvt.f32.s32 v7  }
0x9b: {  	vm2 =	vlt.f32 v5, $5.120000000e+02;
	vm0 =	vmand vm1, vm0;
	v5 =	vcvt.f32.s32 v8  }
0x9c: {  	vm1 =	vlt.f32 v6, $5.120000000e+02;
	vm0 =	vmand vm0, vm2;
	v6 =	vshll.u32 v7, $0x9  }
0x9d: {  	v4 =	vsub.f32 $0.0e+00, v4;
	vm0 =	vmand vm1, vm0;
	v5 =	vadd.s32 v5, v6  }
0x9e: {  	v3 =	vsub.f32 $0.0e+00, v3;
	v5 =	vand.u32 $0x3FFFF, v5  }
0x9f: {  	s4 =	sadd.s32 $0x20, s12;
	v4 =	vnsel vm0, $0x0, v4;
	[tilespmem:s14+$0xFFFFFFF0] =	vst v5  }
0xa0: {  	s6 =	sand.u32 $0x60, s4;
	s4 =	scvt.s32.f32 s4;
	v3 =	vnsel vm0, $0x0, v3;
	[tilespmem:s1+$0xFFFFFFF0] =	vst v4  }
0xa1: {  	s6 =	sor.u32 s0, s6;
	[tilespmem:s10+$0xFFFFFFF0] =	vst v3;
	v3 =	vsel vm0, $0x3F800000, v0  }
0xa2: {  	s6 =	sor.u32 s13, s6;
	[tilespmem:s11+$0xFFFFFFF0] =	vst v3  }
0xa3: {  	v3 =	vld [tilespmem:s6+$0x2000]  }
0xa4: {  	v4 =	vld [tilespmem:s6+$0x0];
	_ =	sdelay $0x2  }
0xa5: {  	v5 =	vadd.f32 s4, v1  }
0xa6: {  	v6 =	vadd.f32 v3, v2  }
0xa7: {  	v5 =	vadd.f32 v4, v5  }
0xa8: {  	vm0 =	vge.f32 v6, $0.0e+00;
	v7 =	vtrunc.f32 v6  }
0xa9: {  	vm1 =	vge.f32 v5, $0.0e+00;
	v8 =	vtrunc.f32 v5;
	v7 =	vcvt.f32.s32 v7  }
0xaa: {  	vm2 =	vlt.f32 v5, $5.120000000e+02;
	vm0 =	vmand vm1, vm0;
	v5 =	vcvt.f32.s32 v8  }
0xab: {  	vm1 =	vlt.f32 v6, $5.120000000e+02;
	vm0 =	vmand vm0, vm2;
	v6 =	vshll.u32 v7, $0x9  }
0xac: {  	v4 =	vsub.f32 $0.0e+00, v4;
	vm0 =	vmand vm1, vm0;
	v5 =	vadd.s32 v5, v6  }
0xad: {  	v3 =	vsub.f32 $0.0e+00, v3;
	v5 =	vand.u32 $0x3FFFF, v5  }
0xae: {  	s4 =	sadd.s32 $0x30, s12;
	s12 =	smov.u32 s26;
	v4 =	vnsel vm0, $0x0, v4;
	[tilespmem:s14+$0x0] =	vst v5  }
0xaf: {  	s6 =	sand.u32 $0x70, s4;
	s4 =	scvt.s32.f32 s4;
	v3 =	vnsel vm0, $0x0, v3;
	[tilespmem:s1+$0x0] =	vst v4  }
0xb0: {  	s6 =	sor.u32 s0, s6;
	[tilespmem:s10+$0x0] =	vst v3;
	v3 =	vsel vm0, $0x3F800000, v0  }
0xb1: {  	s6 =	sor.u32 s13, s6;
	[tilespmem:s11+$0x0] =	vst v3  }
0xb2: {  	v3 =	vld [tilespmem:s6+$0x2000]  }
0xb3: {  	v4 =	vld [tilespmem:s6+$0x0];
	_ =	sdelay $0x2  }
0xb4: {  	v5 =	vadd.f32 s4, v1  }
0xb5: {  	v6 =	vadd.f32 v3, v2  }
0xb6: {  	v5 =	vadd.f32 v4, v5  }
0xb7: {  	vm0 =	vge.f32 v6, $0.0e+00;
	v7 =	vtrunc.f32 v6  }
0xb8: {  	vm1 =	vge.f32 v5, $0.0e+00;
	v8 =	vtrunc.f32 v5;
	v7 =	vcvt.f32.s32 v7  }
0xb9: {  	vm2 =	vlt.f32 v5, $5.120000000e+02;
	vm0 =	vmand vm1, vm0;
	v5 =	vcvt.f32.s32 v8  }
0xba: {  	vm1 =	vlt.f32 v6, $5.120000000e+02;
	vm0 =	vmand vm0, vm2;
	v6 =	vshll.u32 v7, $0x9  }
.Ltmp1:
0xbb: {  	v4 =	vsub.f32 $0.0e+00, v4;
	vm0 =	vmand vm1, vm0;
	v5 =	vadd.s32 v5, v6;
	(pc) =	sbr.rel @p0 .LBB2_6-.Ltmp1, $4  }
0xbc: {  	v3 =	vsub.f32 $0.0e+00, v3;
	v5 =	vand.u32 $0x3FFFF, v5  }
0xbd: {  	s15 =	sadd.s32 $0x200, s15;
	s1 =	sadd.s32 $0x40, s1;
	v4 =	vnsel vm0, $0x0, v4;
	[tilespmem:s14+$0x10] =	vst v5  }
0xbe: {  	s13 =	sand.u32 $0xC00, s15;
	s4 =	sand.u32 $0x40, s12;
	s10 =	sadd.s32 $0x40, s10;
	v3 =	vnsel vm0, $0x0, v3;
	[tilespmem:s20+$0x10] =	vst v4  }
0xbf: {  	s11 =	sadd.s32 $0x40, s11;
	s6 =	sor.u32 s0, s4;
	s4 =	smov.u32 s7;
	[tilespmem:s24+$0x10] =	vst v3;
	v3 =	vsel vm0, $0x3F800000, v0  }
0xc0: {  	s4 =	sor.u32 s13, s6;
	[tilespmem:s5+$0x10] =	vst v3  }
0xc1: {  	v3 =	vld [tilespmem:s4+$0x2000]  }
0xc2: {  	v4 =	vld [tilespmem:s4+$0x0]  }
0xc3: {  	s20 =	scvt.s32.f32 s12;
	_ =	sdelay $0x1  }
0xc4: {  	v5 =	vadd.f32 s20, v1  }
0xc5: {  	v6 =	vadd.f32 v3, v2  }
0xc6: {  	v5 =	vadd.f32 v4, v5  }
0xc7: {  	v7 =	vtrunc.f32 v6  }
0xc8: {  	v4 =	vsub.f32 $0.0e+00, v4;
	v8 =	vtrunc.f32 v5;
	v7 =	vcvt.f32.s32 v7  }
0xc9: {  	vm0 =	vge.f32 v6, $0.0e+00;
	vm1 =	vge.f32 v5, $0.0e+00;
	v48 =	vcvt.f32.s32 v8  }
0xca: {  	vm2 =	vlt.f32 v5, $5.120000000e+02;
	vm0 =	vmand vm1, vm0;
	v7 =	vshll.u32 v7, $0x9  }
0xcb: {  	vm15 =	vlt.f32 v6, $5.120000000e+02;
	vm0 =	vmand vm0, vm2;
	v5 =	vadd.s32 v48, v7  }
0xcc: {  	s4 =	sadd.s32 $0x40, s14;
	v3 =	vsub.f32 $0.0e+00, v3;
	vm0 =	vmand vm15, vm0;
	v5 =	vand.u32 $0x3FFFF, v5  }
0xcd: {  	s24 =	sadd.s32 $0x10, s12;
	v4 =	vnsel vm0, $0x0, v4;
	[tilespmem:s4+$0xFFFFFFE0] =	vst v5  }
0xce: {  	s26 =	sand.u32 $0x50, s24;
	v3 =	vnsel vm0, $0x0, v3;
	[tilespmem:s1+$0xFFFFFFE0] =	vst v4  }
0xcf: {  	s6 =	sor.u32 s0, s26;
	[tilespmem:s10+$0xFFFFFFE0] =	vst v3;
	v3 =	vsel vm0, $0x3F800000, v0  }
0xd0: {  	s6 =	sor.u32 s13, s6;
	[tilespmem:s11+$0xFFFFFFE0] =	vst v3  }
0xd1: {  	v3 =	vld [tilespmem:s6+$0x2000]  }
0xd2: {  	v4 =	vld [tilespmem:s6+$0x0]  }
0xd3: {  	s5 =	scvt.s32.f32 s24;
	_ =	sdelay $0x1  }
0xd4: {  	v49 =	vadd.f32 s5, v1  }
0xd5: {  	v50 =	vadd.f32 v3, v2  }
0xd6: {  	v5 =	vadd.f32 v4, v49  }
0xd7: {  	v51 =	vtrunc.f32 v50  }
0xd8: {  	v4 =	vsub.f32 $0.0e+00, v4;
	v52 =	vtrunc.f32 v5;
	v7 =	vcvt.f32.s32 v51  }
0xd9: {  	vm4 =	vge.f32 v50, $0.0e+00;
	vm5 =	vge.f32 v5, $0.0e+00;
	v53 =	vcvt.f32.s32 v52  }
0xda: {  	vm6 =	vlt.f32 v5, $5.120000000e+02;
	vm0 =	vmand vm5, vm4;
	v7 =	vshll.u32 v7, $0x9  }
0xdb: {  	vm7 =	vlt.f32 v50, $5.120000000e+02;
	vm0 =	vmand vm0, vm6;
	v5 =	vadd.s32 v53, v7  }
0xdc: {  	v3 =	vsub.f32 $0.0e+00, v3;
	vm0 =	vmand vm7, vm0;
	v5 =	vand.u32 $0x3FFFF, v5  }
0xdd: {  	s7 =	sadd.s32 $0x20, s12;
	v4 =	vnsel vm0, $0x0, v4;
	[tilespmem:s4+$0xFFFFFFF0] =	vst v5  }
0xde: {  	s14 =	sand.u32 $0x60, s7;
	v3 =	vnsel vm0, $0x0, v3;
	[tilespmem:s1+$0xFFFFFFF0] =	vst v4  }
0xdf: {  	s6 =	sor.u32 s0, s14;
	[tilespmem:s10+$0xFFFFFFF0] =	vst v3;
	v3 =	vsel vm0, $0x3F800000, v0  }
0xe0: {  	s6 =	sor.u32 s13, s6;
	[tilespmem:s11+$0xFFFFFFF0] =	vst v3  }
0xe1: {  	v3 =	vld [tilespmem:s6+$0x2000]  }
0xe2: {  	v4 =	vld [tilespmem:s6+$0x0]  }
0xe3: {  	s5 =	scvt.s32.f32 s7;
	_ =	sdelay $0x1  }
0xe4: {  	v54 =	vadd.f32 s5, v1  }
0xe5: {  	v55 =	vadd.f32 v3, v2  }
0xe6: {  	v5 =	vadd.f32 v4, v54  }
0xe7: {  	v56 =	vtrunc.f32 v55  }
0xe8: {  	v4 =	vsub.f32 $0.0e+00, v4;
	v57 =	vtrunc.f32 v5;
	v7 =	vcvt.f32.s32 v56  }
0xe9: {  	vm8 =	vge.f32 v55, $0.0e+00;
	vm9 =	vge.f32 v5, $0.0e+00;
	v58 =	vcvt.f32.s32 v57  }
0xea: {  	vm10 =	vlt.f32 v5, $5.120000000e+02;
	vm0 =	vmand vm9, vm8;
	v7 =	vshll.u32 v7, $0x9  }
0xeb: {  	vm11 =	vlt.f32 v55, $5.120000000e+02;
	vm0 =	vmand vm0, vm10;
	v5 =	vadd.s32 v58, v7  }
0xec: {  	v3 =	vsub.f32 $0.0e+00, v3;
	vm0 =	vmand vm11, vm0;
	v5 =	vand.u32 $0x3FFFF, v5  }
0xed: {  	s15 =	sadd.s32 $0x30, s12;
	v4 =	vnsel vm0, $0x0, v4;
	[tilespmem:s4+$0x0] =	vst v5  }
0xee: {  	s20 =	sand.u32 $0x70, s15;
	v3 =	vnsel vm0, $0x0, v3;
	[tilespmem:s1+$0x0] =	vst v4  }
0xef: {  	s24 =	sor.u32 s0, s20;
	[tilespmem:s10+$0x0] =	vst v3;
	v3 =	vsel vm0, $0x3F800000, v0  }
0xf0: {  	s0 =	sor.u32 s13, s24;
	[tilespmem:s11+$0x0] =	vst v3  }
0xf1: {  	v3 =	vld [tilespmem:s0+$0x2000]  }
0xf2: {  	v4 =	vld [tilespmem:s0+$0x0]  }
0xf3: {  	s26 =	scvt.s32.f32 s15;
	_ =	sdelay $0x1  }
0xf4: {  	v59 =	vadd.f32 s26, v1  }
0xf5: {  	v2 =	vadd.f32 v3, v2  }
0xf6: {  	v5 =	vadd.f32 v4, v59  }
0xf7: {  	v60 =	vtrunc.f32 v2  }
0xf8: {  	v4 =	vsub.f32 $0.0e+00, v4;
	v61 =	vtrunc.f32 v5;
	v6 =	vcvt.f32.s32 v60  }
0xf9: {  	vm12 =	vge.f32 v2, $0.0e+00;
	vm13 =	vge.f32 v5, $0.0e+00;
	v62 =	vcvt.f32.s32 v61  }
0xfa: {  	s23 =	sadd.s32 $0x1, s23;
	vm14 =	vlt.f32 v5, $5.120000000e+02;
	vm0 =	vmand vm13, vm12;
	v6 =	vshll.u32 v6, $0x9  }
0xfb: {  	p0 =	sne.s32 s23, $0x10;
	vm15 =	vlt.f32 v2, $5.120000000e+02;
	vm0 =	vmand vm0, vm14;
	v2 =	vadd.s32 v62, v6  }
.Ltmp2:
0xfc: {  	v3 =	vsub.f32 $0.0e+00, v3;
	vm0 =	vmand vm15, vm0;
	v2 =	vand.u32 $0x3FFFF, v2;
	(pc) =	sbr.rel @p0 .LBB2_5-.Ltmp2, $4  }
0xfd: {  	[tilespmem:s4+$0x10] =	vst v2;
	v2 =	vnsel vm0, $0x0, v4  }
0xfe: {  	[tilespmem:s1+$0x10] =	vst v2;
	v2 =	vnsel vm0, $0x0, v3  }
0xff: {  	s28 =	sadd.s32 $0x200, s28;
	[tilespmem:s10+$0x10] =	vst v2;
	v2 =	vsel vm0, $0x3F800000, v0  }
0x100: {  	s29 =	sadd.s32 $0x200, s29;
	s30 =	sadd.s32 $0x200, s30;
	s8 =	sadd.s32 $0x200, s8;
	[tilespmem:s11+$0x10] =	vst v2  }
0x101: {  	s1 =	simm.s32 $0xA000;
	s0 =	rddreg [dreg:$0x3]  }
0x102: {  	[spmem:s31] =	stream.indirect.scatter.add.f32 [tilespmem:s2], [sflag:$0x1], $0x1, s1, s22, $0xb8;
	v63 =	vld [tilespmem:$0x0]  }
0x103: {  	s23 =	simm.s32 $0x6000;
	s30 =	rddreg [dreg:$0xd]  }
0x104: {  	[spmem:s0] =	stream.indirect.scatter.add.f32 [tilespmem:s23], [sflag:$0x2], $0x1, s1, s22, $0xb8;
	v63 =	vld [tilespmem:$0x0]  }
0x105: {  	s0 =	sor.u32 s30, s25  }
0x106: {  	s24 =	rddreg [dreg:$0x4];
	s26 =	simm.s32 $0x8000;
	s25 =	sshrl.u32 s0, $0x3  }
0x107: {  	[spmem:s24] =	stream.indirect.scatter.add.f32 [tilespmem:s26], [sflag:$0x3], $0x1, s1, s22, $0xb8;
	v63 =	vld [tilespmem:$0x0]  }
0x108: {  	s29 =	simm.s32 $0x0;
	s0 =	sadd.s32 s19, s25  }
0x109: {  	[tilespmem:s29], [sflag:$0x9] =	stream.linear.gather [hbm4b:s0+s29], $0x2000, $0x38;
	v63 =	vld [tilespmem:$0x0]  }
0x10a: {  	s28 =	smov.u32 s3;
	_ =	swait.ge [sflag:s21], $0x2000  }
0x10b: {  	s3 =	smov.u32 s31;
	s31 =	sor.u32 $0x8000, s25;
	[sflag:s21] =	ssyncset.done $0x0  }
0x10c: {  	s0 =	sadd.s32 s19, s31;
	[dreg:$0x11] =	wrdreg s31;
	[sflag:s21] =	ssyncadd.s32 $0xFFFFE000  }
0x10d: {  	[tilespmem:s22], [sflag:$0x9] =	stream.linear.gather [hbm4b:s0+s29], $0x2000, $0x38;
	v63 =	vld [tilespmem:$0x0]  }
0x10e: {  	s15 =	simm.s32 $0x12020;
	s7 =	simm.s32 $0x10020;
	_ =	swait.ge [sflag:s21], $0x2000  }
0x10f: {  	s2 =	smov.u32 s19;
	s23 =	simm.s32 $0xE020;
	[sflag:s21] =	ssyncset.done $0x0  }
0x110: {  	s26 =	simm.s32 $0xC020;
	s0 =	simm.s32 $0x0;
	[sflag:s21] =	ssyncadd.s32 $0xFFFFE000  }
.LBB2_9:
0x111: {  	s1 =	sshll.u32 s0, $0x9;
	s4 =	sshll.u32 s0, $0x7  }
0x112: {  	s1 =	sand.u32 $0x1000, s1;
	s4 =	sand.u32 $0x380, s4  }
0x113: {  	s5 =	sand.u32 $0x40, s29;
	s1 =	sor.u32 s1, s4  }
0x114: {  	s31 =	sand.u32 $0xC00, s29;
	s5 =	sor.u32 s1, s5  }
0x115: {  	s5 =	sor.u32 s31, s5  }
0x116: {  	v3 =	vld [tilespmem:s5+$0x2000]  }
0x117: {  	s6 =	sor.u32 s17, s0;
	v4 =	vld [tilespmem:s5+$0x0]  }
0x118: {  	s10 =	scvt.s32.f32 s29;
	s8 =	scvt.s32.f32 s6  }
0x119: {  	_ = 	snop  }
0x11a: {  	v5 =	vadd.f32 s10, v1;
	v2 =	vmov s8  }
0x11b: {  	v6 =	vadd.f32 v3, v2  }
0x11c: {  	v5 =	vadd.f32 v4, v5  }
0x11d: {  	v7 =	vtrunc.f32 v6  }
0x11e: {  	vm0 =	vge.f32 v6, $0.0e+00;
	v8 =	vtrunc.f32 v5;
	v7 =	vcvt.f32.s32 v7  }
0x11f: {  	vm1 =	vge.f32 v5, $0.0e+00;
	vm2 =	vlt.f32 v5, $5.120000000e+02;
	v5 =	vcvt.f32.s32 v8  }
0x120: {  	v4 =	vsub.f32 $0.0e+00, v4;
	vm0 =	vmand vm1, vm0;
	v7 =	vshll.u32 v7, $0x9  }
0x121: {  	vm15 =	vlt.f32 v6, $5.120000000e+02;
	vm0 =	vmand vm0, vm2;
	v5 =	vadd.s32 v5, v7  }
0x122: {  	v3 =	vsub.f32 $0.0e+00, v3;
	vm0 =	vmand vm15, vm0;
	v5 =	vand.u32 $0x3FFFF, v5  }
0x123: {  	s11 =	simm.s32 $0x10;
	v4 =	vnsel vm0, $0x0, v4;
	[tilespmem:s15+$0xFFFFFFE0] =	vst v5  }
0x124: {  	s12 =	sand.u32 $0x50, s11;
	v3 =	vnsel vm0, $0x0, v3;
	[tilespmem:s26+$0xFFFFFFE0] =	vst v4  }
0x125: {  	s6 =	sor.u32 s1, s12;
	[tilespmem:s23+$0xFFFFFFE0] =	vst v3;
	v3 =	vsel vm0, $0x3F800000, v0  }
0x126: {  	s6 =	sor.u32 s31, s6;
	[tilespmem:s7+$0xFFFFFFE0] =	vst v3  }
0x127: {  	v3 =	vld [tilespmem:s6+$0x2000]  }
0x128: {  	v4 =	vld [tilespmem:s6+$0x0]  }
0x129: {  	s5 =	scvt.s32.f32 s11;
	_ =	sdelay $0x1  }
0x12a: {  	v5 =	vadd.f32 s5, v1  }
0x12b: {  	v54 =	vadd.f32 v3, v2  }
0x12c: {  	v5 =	vadd.f32 v4, v5  }
0x12d: {  	v55 =	vtrunc.f32 v54  }
0x12e: {  	vm4 =	vge.f32 v54, $0.0e+00;
	v56 =	vtrunc.f32 v5;
	v7 =	vcvt.f32.s32 v55  }
0x12f: {  	vm5 =	vge.f32 v5, $0.0e+00;
	vm6 =	vlt.f32 v5, $5.120000000e+02;
	v5 =	vcvt.f32.s32 v56  }
0x130: {  	v4 =	vsub.f32 $0.0e+00, v4;
	vm0 =	vmand vm5, vm4;
	v7 =	vshll.u32 v7, $0x9  }
0x131: {  	vm7 =	vlt.f32 v54, $5.120000000e+02;
	vm0 =	vmand vm0, vm6;
	v5 =	vadd.s32 v5, v7  }
0x132: {  	v3 =	vsub.f32 $0.0e+00, v3;
	vm0 =	vmand vm7, vm0;
	v5 =	vand.u32 $0x3FFFF, v5  }
0x133: {  	s13 =	simm.s32 $0x20;
	v4 =	vnsel vm0, $0x0, v4;
	[tilespmem:s15+$0xFFFFFFF0] =	vst v5  }
0x134: {  	s14 =	sand.u32 $0x60, s13;
	v3 =	vnsel vm0, $0x0, v3;
	[tilespmem:s26+$0xFFFFFFF0] =	vst v4  }
0x135: {  	s6 =	sor.u32 s1, s14;
	[tilespmem:s23+$0xFFFFFFF0] =	vst v3;
	v3 =	vsel vm0, $0x3F800000, v0  }
0x136: {  	s6 =	sor.u32 s31, s6;
	[tilespmem:s7+$0xFFFFFFF0] =	vst v3  }
0x137: {  	v3 =	vld [tilespmem:s6+$0x2000]  }
0x138: {  	v4 =	vld [tilespmem:s6+$0x0]  }
0x139: {  	s5 =	scvt.s32.f32 s13;
	_ =	sdelay $0x1  }
0x13a: {  	v5 =	vadd.f32 s5, v1  }
0x13b: {  	v57 =	vadd.f32 v3, v2  }
0x13c: {  	v5 =	vadd.f32 v4, v5  }
0x13d: {  	v58 =	vtrunc.f32 v57  }
0x13e: {  	vm8 =	vge.f32 v57, $0.0e+00;
	v59 =	vtrunc.f32 v5;
	v7 =	vcvt.f32.s32 v58  }
0x13f: {  	vm9 =	vge.f32 v5, $0.0e+00;
	vm10 =	vlt.f32 v5, $5.120000000e+02;
	v5 =	vcvt.f32.s32 v59  }
0x140: {  	v4 =	vsub.f32 $0.0e+00, v4;
	vm0 =	vmand vm9, vm8;
	v7 =	vshll.u32 v7, $0x9  }
0x141: {  	vm11 =	vlt.f32 v57, $5.120000000e+02;
	vm0 =	vmand vm0, vm10;
	v5 =	vadd.s32 v5, v7  }
0x142: {  	v3 =	vsub.f32 $0.0e+00, v3;
	vm0 =	vmand vm11, vm0;
	v5 =	vand.u32 $0x3FFFF, v5  }
0x143: {  	s19 =	simm.s32 $0x30;
	v4 =	vnsel vm0, $0x0, v4;
	[tilespmem:s15+$0x0] =	vst v5  }
0x144: {  	s20 =	sand.u32 $0x70, s19;
	v3 =	vnsel vm0, $0x0, v3;
	[tilespmem:s26+$0x0] =	vst v4  }
0x145: {  	s6 =	sor.u32 s1, s20;
	[tilespmem:s23+$0x0] =	vst v3;
	v3 =	vsel vm0, $0x3F800000, v0  }
0x146: {  	s4 =	sor.u32 s31, s6;
	[tilespmem:s7+$0x0] =	vst v3  }
0x147: {  	v3 =	vld [tilespmem:s4+$0x2000]  }
0x148: {  	v4 =	vld [tilespmem:s4+$0x0]  }
0x149: {  	s24 =	scvt.s32.f32 s19;
	_ =	sdelay $0x1  }
0x14a: {  	v5 =	vadd.f32 s24, v1  }
0x14b: {  	v60 =	vadd.f32 v3, v2  }
0x14c: {  	v5 =	vadd.f32 v4, v5  }
0x14d: {  	v61 =	vtrunc.f32 v60  }
0x14e: {  	vm12 =	vge.f32 v60, $0.0e+00;
	v62 =	vtrunc.f32 v5;
	v7 =	vcvt.f32.s32 v61  }
0x14f: {  	vm13 =	vge.f32 v5, $0.0e+00;
	vm14 =	vlt.f32 v5, $5.120000000e+02;
	v5 =	vcvt.f32.s32 v62  }
0x150: {  	v4 =	vsub.f32 $0.0e+00, v4;
	vm0 =	vmand vm13, vm12;
	v7 =	vshll.u32 v7, $0x9  }
0x151: {  	vm15 =	vlt.f32 v60, $5.120000000e+02;
	vm0 =	vmand vm0, vm14;
	v5 =	vadd.s32 v5, v7  }
0x152: {  	s30 =	smov.u32 s15;
	s10 =	sadd.s32 $0x40, s26;
	v3 =	vsub.f32 $0.0e+00, v3;
	vm0 =	vmand vm15, vm0;
	v5 =	vand.u32 $0x3FFFF, v5  }
0x153: {  	s12 =	sadd.s32 $0x40, s7;
	s8 =	smov.u32 s7;
	s13 =	simm.s32 $0x40;
	v4 =	vnsel vm0, $0x0, v4;
	[tilespmem:s15+$0x10] =	vst v5  }
0x154: {  	s11 =	sadd.s32 $0x40, s23;
	s5 =	simm.s32 $0x200;
	s31 =	sand.u32 $0x40, s13;
	v3 =	vnsel vm0, $0x0, v3;
	[tilespmem:s26+$0x10] =	vst v4  }
0x155: {  	s14 =	sand.u32 $0xC00, s5;
	s24 =	simm.s32 $0x80;
	s4 =	sor.u32 s1, s31;
	[tilespmem:s23+$0x10] =	vst v3;
	v3 =	vsel vm0, $0x3F800000, v0  }
.LBB2_10:
0x156: {  	s19 =	sor.u32 s14, s4;
	s30 =	sadd.s32 $0x40, s30;
	s4 =	smov.u32 s24  }
0x157: {  	[tilespmem:s8+$0x10] =	vst v3;
	s6 =	sadd.s32 $0x40, s24;
	s31 =	smov.u32 s10;
	s20 =	smov.u32 s11  }
0x158: {  	p0 =	sne.s32 s24, $0x1C0;
	s8 =	smov.u32 s12;
	v3 =	vld [tilespmem:s19+$0x2000]  }
0x159: {  	v4 =	vld [tilespmem:s19+$0x0]  }
0x15a: {  	s19 =	scvt.s32.f32 s13;
	_ =	sdelay $0x1  }
0x15b: {  	v5 =	vadd.f32 s19, v1  }
0x15c: {  	v6 =	vadd.f32 v3, v2  }
0x15d: {  	v5 =	vadd.f32 v4, v5  }
0x15e: {  	vm0 =	vge.f32 v6, $0.0e+00;
	v7 =	vtrunc.f32 v6  }
0x15f: {  	vm1 =	vge.f32 v5, $0.0e+00;
	v8 =	vtrunc.f32 v5;
	v7 =	vcvt.f32.s32 v7  }
0x160: {  	vm2 =	vlt.f32 v5, $5.120000000e+02;
	vm0 =	vmand vm1, vm0;
	v5 =	vcvt.f32.s32 v8  }
0x161: {  	vm1 =	vlt.f32 v6, $5.120000000e+02;
	vm0 =	vmand vm0, vm2;
	v6 =	vshll.u32 v7, $0x9  }
0x162: {  	v4 =	vsub.f32 $0.0e+00, v4;
	vm0 =	vmand vm1, vm0;
	v5 =	vadd.s32 v5, v6  }
0x163: {  	v3 =	vsub.f32 $0.0e+00, v3;
	v5 =	vand.u32 $0x3FFFF, v5  }
0x164: {  	s19 =	sadd.s32 $0x10, s13;
	v4 =	vnsel vm0, $0x0, v4;
	[tilespmem:s30+$0xFFFFFFE0] =	vst v5  }
0x165: {  	s24 =	sand.u32 $0x50, s19;
	s19 =	scvt.s32.f32 s19;
	v3 =	vnsel vm0, $0x0, v3;
	[tilespmem:s10+$0xFFFFFFE0] =	vst v4  }
0x166: {  	s24 =	sor.u32 s1, s24;
	[tilespmem:s11+$0xFFFFFFE0] =	vst v3;
	v3 =	vsel vm0, $0x3F800000, v0  }
0x167: {  	s24 =	sor.u32 s14, s24;
	[tilespmem:s12+$0xFFFFFFE0] =	vst v3  }
0x168: {  	v3 =	vld [tilespmem:s24+$0x2000]  }
0x169: {  	v4 =	vld [tilespmem:s24+$0x0];
	_ =	sdelay $0x2  }
0x16a: {  	v5 =	vadd.f32 s19, v1  }
0x16b: {  	v6 =	vadd.f32 v3, v2  }
0x16c: {  	v5 =	vadd.f32 v4, v5  }
0x16d: {  	vm0 =	vge.f32 v6, $0.0e+00;
	v7 =	vtrunc.f32 v6  }
0x16e: {  	vm1 =	vge.f32 v5, $0.0e+00;
	v8 =	vtrunc.f32 v5;
	v7 =	vcvt.f32.s32 v7  }
0x16f: {  	vm2 =	vlt.f32 v5, $5.120000000e+02;
	vm0 =	vmand vm1, vm0;
	v5 =	vcvt.f32.s32 v8  }
0x170: {  	vm1 =	vlt.f32 v6, $5.120000000e+02;
	vm0 =	vmand vm0, vm2;
	v6 =	vshll.u32 v7, $0x9  }
0x171: {  	v4 =	vsub.f32 $0.0e+00, v4;
	vm0 =	vmand vm1, vm0;
	v5 =	vadd.s32 v5, v6  }
0x172: {  	v3 =	vsub.f32 $0.0e+00, v3;
	v5 =	vand.u32 $0x3FFFF, v5  }
0x173: {  	s19 =	sadd.s32 $0x20, s13;
	v4 =	vnsel vm0, $0x0, v4;
	[tilespmem:s30+$0xFFFFFFF0] =	vst v5  }
0x174: {  	s24 =	sand.u32 $0x60, s19;
	s19 =	scvt.s32.f32 s19;
	v3 =	vnsel vm0, $0x0, v3;
	[tilespmem:s10+$0xFFFFFFF0] =	vst v4  }
0x175: {  	s24 =	sor.u32 s1, s24;
	[tilespmem:s11+$0xFFFFFFF0] =	vst v3;
	v3 =	vsel vm0, $0x3F800000, v0  }
0x176: {  	s24 =	sor.u32 s14, s24;
	[tilespmem:s12+$0xFFFFFFF0] =	vst v3  }
0x177: {  	v3 =	vld [tilespmem:s24+$0x2000]  }
0x178: {  	v4 =	vld [tilespmem:s24+$0x0];
	_ =	sdelay $0x2  }
0x179: {  	v5 =	vadd.f32 s19, v1  }
0x17a: {  	v6 =	vadd.f32 v3, v2  }
0x17b: {  	v5 =	vadd.f32 v4, v5  }
0x17c: {  	vm0 =	vge.f32 v6, $0.0e+00;
	v7 =	vtrunc.f32 v6  }
0x17d: {  	vm1 =	vge.f32 v5, $0.0e+00;
	v8 =	vtrunc.f32 v5;
	v7 =	vcvt.f32.s32 v7  }
0x17e: {  	vm2 =	vlt.f32 v5, $5.120000000e+02;
	vm0 =	vmand vm1, vm0;
	v5 =	vcvt.f32.s32 v8  }
0x17f: {  	vm1 =	vlt.f32 v6, $5.120000000e+02;
	vm0 =	vmand vm0, vm2;
	v6 =	vshll.u32 v7, $0x9  }
0x180: {  	v4 =	vsub.f32 $0.0e+00, v4;
	vm0 =	vmand vm1, vm0;
	v5 =	vadd.s32 v5, v6  }
0x181: {  	v3 =	vsub.f32 $0.0e+00, v3;
	v5 =	vand.u32 $0x3FFFF, v5  }
0x182: {  	s19 =	sadd.s32 $0x30, s13;
	s13 =	smov.u32 s4;
	v4 =	vnsel vm0, $0x0, v4;
	[tilespmem:s30+$0x0] =	vst v5  }
0x183: {  	s4 =	sand.u32 $0x70, s19;
	s19 =	scvt.s32.f32 s19;
	v3 =	vnsel vm0, $0x0, v3;
	[tilespmem:s10+$0x0] =	vst v4  }
0x184: {  	s4 =	sor.u32 s1, s4;
	[tilespmem:s11+$0x0] =	vst v3;
	v3 =	vsel vm0, $0x3F800000, v0  }
0x185: {  	s4 =	sor.u32 s14, s4;
	[tilespmem:s12+$0x0] =	vst v3  }
0x186: {  	v3 =	vld [tilespmem:s4+$0x2000]  }
0x187: {  	v4 =	vld [tilespmem:s4+$0x0];
	_ =	sdelay $0x2  }
0x188: {  	v5 =	vadd.f32 s19, v1  }
0x189: {  	v6 =	vadd.f32 v3, v2  }
0x18a: {  	v5 =	vadd.f32 v4, v5  }
0x18b: {  	vm0 =	vge.f32 v6, $0.0e+00;
	v7 =	vtrunc.f32 v6  }
0x18c: {  	vm1 =	vge.f32 v5, $0.0e+00;
	v8 =	vtrunc.f32 v5;
	v7 =	vcvt.f32.s32 v7  }
0x18d: {  	vm2 =	vlt.f32 v5, $5.120000000e+02;
	vm0 =	vmand vm1, vm0;
	v5 =	vcvt.f32.s32 v8  }
0x18e: {  	vm1 =	vlt.f32 v6, $5.120000000e+02;
	vm0 =	vmand vm0, vm2;
	v6 =	vshll.u32 v7, $0x9  }
.Ltmp3:
0x18f: {  	v4 =	vsub.f32 $0.0e+00, v4;
	vm0 =	vmand vm1, vm0;
	v5 =	vadd.s32 v5, v6;
	(pc) =	sbr.rel @p0 .LBB2_10-.Ltmp3, $4  }
0x190: {  	v3 =	vsub.f32 $0.0e+00, v3;
	v5 =	vand.u32 $0x3FFFF, v5  }
0x191: {  	s5 =	sadd.s32 $0x200, s5;
	s10 =	sadd.s32 $0x40, s10;
	v4 =	vnsel vm0, $0x0, v4;
	[tilespmem:s30+$0x10] =	vst v5  }
0x192: {  	s14 =	sand.u32 $0xC00, s5;
	s11 =	sadd.s32 $0x40, s11;
	s4 =	sand.u32 $0x40, s13;
	v3 =	vnsel vm0, $0x0, v3;
	[tilespmem:s31+$0x10] =	vst v4  }
0x193: {  	s24 =	smov.u32 s6;
	s12 =	sadd.s32 $0x40, s12;
	s4 =	sor.u32 s1, s4;
	[tilespmem:s20+$0x10] =	vst v3;
	v3 =	vsel vm0, $0x3F800000, v0  }
0x194: {  	s4 =	sor.u32 s14, s4;
	[tilespmem:s8+$0x10] =	vst v3  }
0x195: {  	v3 =	vld [tilespmem:s4+$0x2000]  }
0x196: {  	v4 =	vld [tilespmem:s4+$0x0]  }
0x197: {  	s6 =	scvt.s32.f32 s13;
	_ =	sdelay $0x1  }
0x198: {  	v5 =	vadd.f32 s6, v1  }
0x199: {  	v6 =	vadd.f32 v3, v2  }
0x19a: {  	v5 =	vadd.f32 v4, v5  }
0x19b: {  	v7 =	vtrunc.f32 v6  }
0x19c: {  	v4 =	vsub.f32 $0.0e+00, v4;
	v8 =	vtrunc.f32 v5;
	v7 =	vcvt.f32.s32 v7  }
0x19d: {  	vm0 =	vge.f32 v6, $0.0e+00;
	vm1 =	vge.f32 v5, $0.0e+00;
	v48 =	vcvt.f32.s32 v8  }
0x19e: {  	vm2 =	vlt.f32 v5, $5.120000000e+02;
	vm0 =	vmand vm1, vm0;
	v7 =	vshll.u32 v7, $0x9  }
0x19f: {  	vm15 =	vlt.f32 v6, $5.120000000e+02;
	vm0 =	vmand vm0, vm2;
	v5 =	vadd.s32 v48, v7  }
0x1a0: {  	s4 =	sadd.s32 $0x40, s30;
	v3 =	vsub.f32 $0.0e+00, v3;
	vm0 =	vmand vm15, vm0;
	v5 =	vand.u32 $0x3FFFF, v5  }
0x1a1: {  	s5 =	sadd.s32 $0x10, s13;
	v4 =	vnsel vm0, $0x0, v4;
	[tilespmem:s4+$0xFFFFFFE0] =	vst v5  }
0x1a2: {  	s6 =	sand.u32 $0x50, s5;
	v3 =	vnsel vm0, $0x0, v3;
	[tilespmem:s10+$0xFFFFFFE0] =	vst v4  }
0x1a3: {  	s6 =	sor.u32 s1, s6;
	[tilespmem:s11+$0xFFFFFFE0] =	vst v3;
	v3 =	vsel vm0, $0x3F800000, v0  }
0x1a4: {  	s6 =	sor.u32 s14, s6;
	[tilespmem:s12+$0xFFFFFFE0] =	vst v3  }
0x1a5: {  	v3 =	vld [tilespmem:s6+$0x2000]  }
0x1a6: {  	v4 =	vld [tilespmem:s6+$0x0]  }
0x1a7: {  	s5 =	scvt.s32.f32 s5;
	_ =	sdelay $0x1  }
0x1a8: {  	v49 =	vadd.f32 s5, v1  }
0x1a9: {  	v50 =	vadd.f32 v3, v2  }
0x1aa: {  	v5 =	vadd.f32 v4, v49  }
0x1ab: {  	v51 =	vtrunc.f32 v50  }
0x1ac: {  	v4 =	vsub.f32 $0.0e+00, v4;
	v52 =	vtrunc.f32 v5;
	v7 =	vcvt.f32.s32 v51  }
0x1ad: {  	vm4 =	vge.f32 v50, $0.0e+00;
	vm5 =	vge.f32 v5, $0.0e+00;
	v53 =	vcvt.f32.s32 v52  }
0x1ae: {  	vm6 =	vlt.f32 v5, $5.120000000e+02;
	vm0 =	vmand vm5, vm4;
	v7 =	vshll.u32 v7, $0x9  }
0x1af: {  	vm7 =	vlt.f32 v50, $5.120000000e+02;
	vm0 =	vmand vm0, vm6;
	v5 =	vadd.s32 v53, v7  }
0x1b0: {  	v3 =	vsub.f32 $0.0e+00, v3;
	vm0 =	vmand vm7, vm0;
	v5 =	vand.u32 $0x3FFFF, v5  }
0x1b1: {  	s8 =	sadd.s32 $0x20, s13;
	v4 =	vnsel vm0, $0x0, v4;
	[tilespmem:s4+$0xFFFFFFF0] =	vst v5  }
0x1b2: {  	s19 =	sand.u32 $0x60, s8;
	v3 =	vnsel vm0, $0x0, v3;
	[tilespmem:s10+$0xFFFFFFF0] =	vst v4  }
0x1b3: {  	s6 =	sor.u32 s1, s19;
	[tilespmem:s11+$0xFFFFFFF0] =	vst v3;
	v3 =	vsel vm0, $0x3F800000, v0  }
0x1b4: {  	s6 =	sor.u32 s14, s6;
	[tilespmem:s12+$0xFFFFFFF0] =	vst v3  }
0x1b5: {  	v3 =	vld [tilespmem:s6+$0x2000]  }
0x1b6: {  	v4 =	vld [tilespmem:s6+$0x0]  }
0x1b7: {  	s5 =	scvt.s32.f32 s8;
	_ =	sdelay $0x1  }
0x1b8: {  	v54 =	vadd.f32 s5, v1  }
0x1b9: {  	v55 =	vadd.f32 v3, v2  }
0x1ba: {  	v5 =	vadd.f32 v4, v54  }
0x1bb: {  	v56 =	vtrunc.f32 v55  }
0x1bc: {  	v4 =	vsub.f32 $0.0e+00, v4;
	v57 =	vtrunc.f32 v5;
	v7 =	vcvt.f32.s32 v56  }
0x1bd: {  	vm8 =	vge.f32 v55, $0.0e+00;
	vm9 =	vge.f32 v5, $0.0e+00;
	v58 =	vcvt.f32.s32 v57  }
0x1be: {  	vm10 =	vlt.f32 v5, $5.120000000e+02;
	vm0 =	vmand vm9, vm8;
	v7 =	vshll.u32 v7, $0x9  }
0x1bf: {  	vm11 =	vlt.f32 v55, $5.120000000e+02;
	vm0 =	vmand vm0, vm10;
	v5 =	vadd.s32 v58, v7  }
0x1c0: {  	v3 =	vsub.f32 $0.0e+00, v3;
	vm0 =	vmand vm11, vm0;
	v5 =	vand.u32 $0x3FFFF, v5  }
0x1c1: {  	s20 =	sadd.s32 $0x30, s13;
	v4 =	vnsel vm0, $0x0, v4;
	[tilespmem:s4+$0x0] =	vst v5  }
0x1c2: {  	s24 =	sand.u32 $0x70, s20;
	v3 =	vnsel vm0, $0x0, v3;
	[tilespmem:s10+$0x0] =	vst v4  }
0x1c3: {  	s30 =	sor.u32 s1, s24;
	[tilespmem:s11+$0x0] =	vst v3;
	v3 =	vsel vm0, $0x3F800000, v0  }
0x1c4: {  	s1 =	sor.u32 s14, s30;
	[tilespmem:s12+$0x0] =	vst v3  }
0x1c5: {  	v3 =	vld [tilespmem:s1+$0x2000]  }
0x1c6: {  	v4 =	vld [tilespmem:s1+$0x0]  }
0x1c7: {  	s31 =	scvt.s32.f32 s20;
	_ =	sdelay $0x1  }
0x1c8: {  	v59 =	vadd.f32 s31, v1  }
0x1c9: {  	v2 =	vadd.f32 v3, v2  }
0x1ca: {  	v5 =	vadd.f32 v4, v59  }
0x1cb: {  	v60 =	vtrunc.f32 v2  }
0x1cc: {  	v4 =	vsub.f32 $0.0e+00, v4;
	v61 =	vtrunc.f32 v5;
	v6 =	vcvt.f32.s32 v60  }
0x1cd: {  	vm12 =	vge.f32 v2, $0.0e+00;
	vm13 =	vge.f32 v5, $0.0e+00;
	v62 =	vcvt.f32.s32 v61  }
0x1ce: {  	s0 =	sadd.s32 $0x1, s0;
	vm14 =	vlt.f32 v5, $5.120000000e+02;
	vm0 =	vmand vm13, vm12;
	v6 =	vshll.u32 v6, $0x9  }
0x1cf: {  	p0 =	sne.s32 s0, $0x10;
	vm15 =	vlt.f32 v2, $5.120000000e+02;
	vm0 =	vmand vm0, vm14;
	v2 =	vadd.s32 v62, v6  }
.Ltmp4:
0x1d0: {  	v3 =	vsub.f32 $0.0e+00, v3;
	vm0 =	vmand vm15, vm0;
	v2 =	vand.u32 $0x3FFFF, v2;
	(pc) =	sbr.rel @p0 .LBB2_9-.Ltmp4, $4  }
0x1d1: {  	[tilespmem:s4+$0x10] =	vst v2;
	v2 =	vnsel vm0, $0x0, v4  }
0x1d2: {  	[tilespmem:s10+$0x10] =	vst v2;
	v2 =	vnsel vm0, $0x0, v3  }
0x1d3: {  	s15 =	sadd.s32 $0x200, s15;
	[tilespmem:s11+$0x10] =	vst v2;
	v2 =	vsel vm0, $0x3F800000, v0  }
0x1d4: {  	s7 =	sadd.s32 $0x200, s7;
	s23 =	sadd.s32 $0x200, s23;
	s26 =	sadd.s32 $0x200, s26;
	[tilespmem:s12+$0x10] =	vst v2  }
0x1d5: {  	s31 =	smov.u32 s3;
	s1 =	simm.s32 $0x12000;
	s11 =	simm.s32 $0xC000  }
0x1d6: {  	[spmem:s31] =	stream.indirect.scatter.add.f32 [tilespmem:s11], [sflag:$0x4], $0x1, s1, s22, $0xb8;
	v63 =	vld [tilespmem:$0x0]  }
0x1d7: {  	s0 =	rddreg [dreg:$0x3];
	s4 =	simm.s32 $0xE000  }
0x1d8: {  	[spmem:s0] =	stream.indirect.scatter.add.f32 [tilespmem:s4], [sflag:$0x5], $0x1, s1, s22, $0xb8;
	v63 =	vld [tilespmem:$0x0]  }
0x1d9: {  	s12 =	rddreg [dreg:$0x4];
	s5 =	simm.s32 $0x10000;
	s13 =	simm.s32 $0x1  }
0x1da: {  	[spmem:s12] =	stream.indirect.scatter.add.f32 [tilespmem:s5], [sflag:$0x6], $0x1, s1, s22, $0xb8;
	v63 =	vld [tilespmem:$0x0]  }
0x1db: {  	_ =	swait.ge [sflag:s13], $0x2000  }
0x1dc: {  	[sflag:s13] =	ssyncset.done $0x0  }
0x1dd: {  	s6 =	simm.s32 $0x2;
	[sflag:s13] =	ssyncadd.s32 $0xFFFFE000  }
0x1de: {  	_ =	swait.ge [sflag:s6], $0x2000  }
0x1df: {  	[sflag:s6] =	ssyncset.done $0x0  }
0x1e0: {  	s7 =	simm.s32 $0x3;
	[sflag:s6] =	ssyncadd.s32 $0xFFFFE000  }
0x1e1: {  	_ =	swait.ge [sflag:s7], $0x2000  }
0x1e2: {  	[sflag:s7] =	ssyncset.done $0x0  }
0x1e3: {  	s14 =	simm.s32 $0x4;
	[sflag:s7] =	ssyncadd.s32 $0xFFFFE000  }
0x1e4: {  	_ =	swait.ge [sflag:s14], $0x2000  }
0x1e5: {  	[sflag:s14] =	ssyncset.done $0x0  }
0x1e6: {  	s15 =	simm.s32 $0x5;
	[sflag:s14] =	ssyncadd.s32 $0xFFFFE000  }
0x1e7: {  	_ =	swait.ge [sflag:s15], $0x2000  }
0x1e8: {  	[sflag:s15] =	ssyncset.done $0x0  }
0x1e9: {  	s19 =	simm.s32 $0x6;
	[sflag:s15] =	ssyncadd.s32 $0xFFFFE000  }
0x1ea: {  	_ =	swait.ge [sflag:s19], $0x2000  }
0x1eb: {  	[sflag:s19] =	ssyncset.done $0x0  }
0x1ec: {  	[sflag:s19] =	ssyncadd.s32 $0xFFFFE000  }
0x1ed: {  	[bflag:$0x0] =	sbarrier.arrive $0xFFFF  }
0x1ee: {  	s30 =	simm.s32 $0x4000;
	s23 =	rddreg [dreg:$0x7]  }
0x1ef: {  	[tilespmem:s30], [sflag:$0x1] =	stream.linear.gather [spmem:s23], $0x2000, $0x38;
	v63 =	vld [tilespmem:$0x0]  }
0x1f0: {  	s20 =	simm.s32 $0x6000;
	s26 =	rddreg [dreg:$0x9]  }
0x1f1: {  	[tilespmem:s20], [sflag:$0x2] =	stream.linear.gather [spmem:s26], $0x2000, $0x38;
	v63 =	vld [tilespmem:$0x0]  }
0x1f2: {  	s24 =	simm.s32 $0x8000;
	s29 =	rddreg [dreg:$0xa]  }
0x1f3: {  	[tilespmem:s24], [sflag:$0x3] =	stream.linear.gather [spmem:s29], $0x2000, $0x38;
	v63 =	vld [tilespmem:$0x0]  }
0x1f4: {  	s24 =	rddreg [dreg:$0x8]  }
0x1f5: {  	[tilespmem:s11], [sflag:$0x4] =	stream.linear.gather [spmem:s24], $0x2000, $0x38;
	v63 =	vld [tilespmem:$0x0]  }
0x1f6: {  	_ = 	snop  }
0x1f7: {  	[tilespmem:s4], [sflag:$0x5] =	stream.linear.gather [spmem:s28], $0x2000, $0x38;
	v63 =	vld [tilespmem:$0x0]  }
0x1f8: {  	s3 =	smov.u32 s28;
	s28 =	rddreg [dreg:$0xb]  }
0x1f9: {  	[tilespmem:s5], [sflag:$0x6] =	stream.linear.gather [spmem:s28], $0x2000, $0x38;
	v63 =	vld [tilespmem:$0x0]  }
0x1fa: {  	_ =	swait.ge [sflag:s13], $0x2000  }
0x1fb: {  	[sflag:s13] =	ssyncset.done $0x0  }
0x1fc: {  	[sflag:s13] =	ssyncadd.s32 $0xFFFFE000  }
0x1fd: {  	_ =	swait.ge [sflag:s6], $0x2000  }
0x1fe: {  	[sflag:s6] =	ssyncset.done $0x0  }
0x1ff: {  	[sflag:s6] =	ssyncadd.s32 $0xFFFFE000  }
0x200: {  	s8 =	simm.s32 $0x4020;
	s10 =	simm.s32 $0x8020;
	_ =	swait.ge [sflag:s7], $0x2000  }
0x201: {  	s0 =	simm.s32 $0x0;
	s1 =	simm.s32 $0x6020;
	[sflag:s7] =	ssyncset.done $0x0  }
0x202: {  	s19 =	smov.u32 s2;
	s11 =	simm.s32 $0x0;
	[sflag:s7] =	ssyncadd.s32 $0xFFFFE000  }
.LBB2_13:
0x203: {  	v2 =	vld [tilespmem:s10+$0xFFFFFFE0];
	_ =	sdelay $0x4  }
0x204: {  	v2 =	vmax.f32 v2, $1.000000000e+00  }
0x205: {  	(erf) = vrcp.f32 v2;
	_ =	sdelay $0x4  }
0x206: {  	v2 =	vld [tilespmem:s8+$0xFFFFFFE0];
	_ =	sdelay $0x1  }
0x207: {  	s4 =	sshll.u32 s11, $0x9;
	s5 =	sshll.u32 s11, $0x7  }
0x208: {  	s6 =	simm.s32 $0x0;
	s4 =	sand.u32 $0x1000, s4;
	s5 =	sand.u32 $0x380, s5  }
0x209: {  	s7 =	sand.u32 $0x40, s6;
	s12 =	sor.u32 s4, s5;
	v3 =	vpop (erf)  }
0x20a: {  	s13 =	sand.u32 $0xC00, s0;
	s4 =	sor.u32 s12, s7;
	v2 =	vmul.f32 v3, v2  }
0x20b: {  	s4 =	sor.u32 s13, s4  }
0x20c: {  	[tilespmem:s4+$0x0] =	vst v2  }
0x20d: {  	v2 =	vld [tilespmem:s1+$0xFFFFFFE0];
	_ =	sdelay $0x4  }
0x20e: {  	v2 =	vmul.f32 v2, v3;
	_ =	sdelay $0x1  }
0x20f: {  	[tilespmem:s4+$0x2000] =	vst v2  }
0x210: {  	[tilespmem:s8+$0xFFFFFFE0] =	vst v0  }
0x211: {  	v2 =	vld [tilespmem:s10+$0xFFFFFFF0];
	_ =	sdelay $0x4  }
0x212: {  	v2 =	vmax.f32 v2, $1.000000000e+00  }
0x213: {  	(erf) = vrcp.f32 v2;
	_ =	sdelay $0x4  }
0x214: {  	v2 =	vld [tilespmem:s8+$0xFFFFFFF0];
	_ =	sdelay $0x2  }
0x215: {  	s14 =	simm.s32 $0x10  }
0x216: {  	s4 =	sand.u32 $0x50, s14;
	v3 =	vpop (erf)  }
0x217: {  	s4 =	sor.u32 s12, s4;
	v2 =	vmul.f32 v3, v2  }
0x218: {  	s4 =	sor.u32 s13, s4  }
0x219: {  	[tilespmem:s4+$0x0] =	vst v2  }
0x21a: {  	v2 =	vld [tilespmem:s1+$0xFFFFFFF0];
	_ =	sdelay $0x4  }
0x21b: {  	v2 =	vmul.f32 v2, v3;
	_ =	sdelay $0x1  }
0x21c: {  	[tilespmem:s4+$0x2000] =	vst v2  }
0x21d: {  	[tilespmem:s8+$0xFFFFFFF0] =	vst v0  }
0x21e: {  	v2 =	vld [tilespmem:s10+$0x0];
	_ =	sdelay $0x4  }
0x21f: {  	v2 =	vmax.f32 v2, $1.000000000e+00  }
0x220: {  	(erf) = vrcp.f32 v2;
	_ =	sdelay $0x4  }
0x221: {  	v2 =	vld [tilespmem:s8+$0x0];
	_ =	sdelay $0x2  }
0x222: {  	s15 =	simm.s32 $0x20  }
0x223: {  	s4 =	sand.u32 $0x60, s15;
	v3 =	vpop (erf)  }
0x224: {  	s4 =	sor.u32 s12, s4;
	v2 =	vmul.f32 v3, v2  }
0x225: {  	s4 =	sor.u32 s13, s4  }
0x226: {  	[tilespmem:s4+$0x0] =	vst v2  }
0x227: {  	v2 =	vld [tilespmem:s1+$0x0];
	_ =	sdelay $0x4  }
0x228: {  	v2 =	vmul.f32 v2, v3;
	_ =	sdelay $0x1  }
0x229: {  	[tilespmem:s4+$0x2000] =	vst v2  }
0x22a: {  	[tilespmem:s8+$0x0] =	vst v0  }
0x22b: {  	v2 =	vld [tilespmem:s10+$0x10];
	_ =	sdelay $0x4  }
0x22c: {  	v2 =	vmax.f32 v2, $1.000000000e+00  }
0x22d: {  	(erf) = vrcp.f32 v2;
	_ =	sdelay $0x4  }
0x22e: {  	v2 =	vld [tilespmem:s8+$0x10];
	_ =	sdelay $0x2  }
0x22f: {  	s20 =	simm.s32 $0x30  }
0x230: {  	s4 =	sand.u32 $0x70, s20;
	v3 =	vpop (erf)  }
0x231: {  	s4 =	sor.u32 s12, s4;
	v2 =	vmul.f32 v3, v2  }
0x232: {  	s4 =	sor.u32 s13, s4  }
0x233: {  	[tilespmem:s4+$0x0] =	vst v2  }
0x234: {  	v2 =	vld [tilespmem:s1+$0x10];
	_ =	sdelay $0x4  }
0x235: {  	v2 =	vmul.f32 v2, v3  }
0x236: {  	s5 =	smov.u32 s8;
	s7 =	simm.s32 $0x70  }
0x237: {  	s14 =	simm.s32 $0x0;
	s15 =	smov.u32 s1;
	s13 =	sadd.s32 $0x40, s10;
	[tilespmem:s4+$0x2000] =	vst v2  }
.LBB2_14:
0x238: {  	[tilespmem:s5+$0x10] =	vst v0;
	s14 =	sadd.s32 $0x200, s14;
	s15 =	sadd.s32 $0x40, s15;
	s5 =	sadd.s32 $0x40, s5  }
0x239: {  	p0 =	sne.s32 s7, $0x1F0;
	s20 =	smov.u32 s7;
	s7 =	sadd.s32 $0x40, s7;
	v2 =	vld [tilespmem:s13+$0xFFFFFFE0]  }
0x23a: {  	_ =	sdelay $0x3  }
0x23b: {  	v2 =	vmax.f32 v2, $1.000000000e+00  }
0x23c: {  	(erf) = vrcp.f32 v2;
	_ =	sdelay $0x4  }
0x23d: {  	v2 =	vld [tilespmem:s5+$0xFFFFFFE0];
	_ =	sdelay $0x2  }
0x23e: {  	s4 =	sadd.s32 $0xFFFFFFD0, s20  }
0x23f: {  	s6 =	sand.u32 $0x40, s4;
	v3 =	vpop (erf)  }
0x240: {  	s4 =	sand.u32 $0xC00, s14;
	s6 =	sor.u32 s12, s6;
	v2 =	vmul.f32 v3, v2  }
0x241: {  	s6 =	sor.u32 s4, s6  }
0x242: {  	[tilespmem:s6+$0x0] =	vst v2  }
0x243: {  	v2 =	vld [tilespmem:s15+$0xFFFFFFE0];
	_ =	sdelay $0x4  }
0x244: {  	v2 =	vmul.f32 v2, v3;
	_ =	sdelay $0x1  }
0x245: {  	[tilespmem:s6+$0x2000] =	vst v2  }
0x246: {  	[tilespmem:s5+$0xFFFFFFE0] =	vst v0  }
0x247: {  	v2 =	vld [tilespmem:s13+$0xFFFFFFF0];
	_ =	sdelay $0x4  }
0x248: {  	v2 =	vmax.f32 v2, $1.000000000e+00  }
0x249: {  	(erf) = vrcp.f32 v2;
	_ =	sdelay $0x4  }
0x24a: {  	v2 =	vld [tilespmem:s5+$0xFFFFFFF0];
	_ =	sdelay $0x2  }
0x24b: {  	s6 =	sadd.s32 $0xFFFFFFE0, s20  }
0x24c: {  	s6 =	sand.u32 $0x50, s6;
	v3 =	vpop (erf)  }
0x24d: {  	s6 =	sor.u32 s12, s6;
	v2 =	vmul.f32 v3, v2  }
0x24e: {  	s6 =	sor.u32 s4, s6  }
0x24f: {  	[tilespmem:s6+$0x0] =	vst v2  }
0x250: {  	v2 =	vld [tilespmem:s15+$0xFFFFFFF0];
	_ =	sdelay $0x4  }
0x251: {  	v2 =	vmul.f32 v2, v3;
	_ =	sdelay $0x1  }
0x252: {  	[tilespmem:s6+$0x2000] =	vst v2  }
0x253: {  	[tilespmem:s5+$0xFFFFFFF0] =	vst v0  }
0x254: {  	v2 =	vld [tilespmem:s13+$0x0];
	_ =	sdelay $0x4  }
0x255: {  	v2 =	vmax.f32 v2, $1.000000000e+00  }
0x256: {  	(erf) = vrcp.f32 v2;
	_ =	sdelay $0x4  }
0x257: {  	v2 =	vld [tilespmem:s5+$0x0];
	_ =	sdelay $0x2  }
0x258: {  	s6 =	sadd.s32 $0xFFFFFFF0, s20  }
0x259: {  	s6 =	sand.u32 $0x60, s6;
	v3 =	vpop (erf)  }
0x25a: {  	s6 =	sor.u32 s12, s6;
	v2 =	vmul.f32 v3, v2  }
0x25b: {  	s6 =	sor.u32 s4, s6  }
0x25c: {  	[tilespmem:s6+$0x0] =	vst v2  }
0x25d: {  	v2 =	vld [tilespmem:s15+$0x0];
	_ =	sdelay $0x4  }
0x25e: {  	v2 =	vmul.f32 v2, v3;
	_ =	sdelay $0x1  }
0x25f: {  	[tilespmem:s6+$0x2000] =	vst v2  }
0x260: {  	[tilespmem:s5+$0x0] =	vst v0;
	v2 =	vld [tilespmem:s5+$0x10]  }
0x261: {  	v3 =	vld [tilespmem:s13+$0x10];
	_ =	sdelay $0x4  }
0x262: {  	v3 =	vmax.f32 v3, $1.000000000e+00  }
0x263: {  	(erf) = vrcp.f32 v3;
	_ =	sdelay $0x8  }
0x264: {  	s6 =	sand.u32 $0x70, s20;
	v3 =	vpop (erf)  }
0x265: {  	s6 =	sor.u32 s12, s6;
	v2 =	vmul.f32 v3, v2  }
0x266: {  	s4 =	sor.u32 s4, s6  }
0x267: {  	[tilespmem:s4+$0x0] =	vst v2  }
0x268: {  	v2 =	vld [tilespmem:s15+$0x10];
	_ =	sdelay $0x2  }
.Ltmp5:
0x269: {  	(pc) =	sbr.rel @p0 .LBB2_14-.Ltmp5, $3  }
0x26a: {  	_ = 	snop  }
0x26b: {  	v2 =	vmul.f32 v2, v3;
	_ =	sdelay $0x1  }
0x26c: {  	s13 =	sadd.s32 $0x40, s13;
	[tilespmem:s4+$0x2000] =	vst v2  }
0x26d: {  	s11 =	sadd.s32 $0x1, s11  }
0x26e: {  	p0 =	sne.s32 s11, $0x10  }
.Ltmp6:
0x26f: {  	_ = 	snop;
	(pc) =	sbr.rel @p0 .LBB2_13-.Ltmp6, $2  }
0x270: {  	_ =	sdelay $0x2  }
0x271: {  	[tilespmem:s5+$0x10] =	vst v0;
	s1 =	sadd.s32 $0x200, s1;
	s8 =	sadd.s32 $0x200, s8;
	s10 =	sadd.s32 $0x200, s10  }
0x272: {  	s2 =	rddreg [dreg:$0x1]  }
0x273: {  	s0 =	simm.s32 $0x0;
	s12 =	rddreg [dreg:$0x10];
	s1 =	sadd.s32 s2, s18  }
0x274: {  	[hbm4b:s1+s0] =	stream.linear.scatter [tilespmem:s0], [sflag:$0x7], $0x2000, $0x38;
	v63 =	vld [tilespmem:$0x0]  }
0x275: {  	s1 =	sadd.s32 s2, s12  }
0x276: {  	[hbm4b:s1+s0] =	stream.linear.scatter [tilespmem:s22], [sflag:$0x8], $0x2000, $0x38;
	v63 =	vld [tilespmem:$0x0]  }
0x277: {  	_ = 	snop  }
0x278: {  	[spmem:s23] =	stream.linear.scatter [tilespmem:s30], [sflag:$0x1], $0x2000, $0x38;
	v63 =	vld [tilespmem:$0x0]  }
0x279: {  	_ = 	snop  }
0x27a: {  	[spmem:s26] =	stream.linear.scatter [tilespmem:s30], [sflag:$0x2], $0x2000, $0x38;
	v63 =	vld [tilespmem:$0x0]  }
0x27b: {  	s13 =	simm.s32 $0x4  }
0x27c: {  	[spmem:s29] =	stream.linear.scatter [tilespmem:s30], [sflag:$0x3], $0x2000, $0x38;
	v63 =	vld [tilespmem:$0x0]  }
0x27d: {  	_ =	swait.ge [sflag:s13], $0x2000  }
0x27e: {  	[sflag:s13] =	ssyncset.done $0x0  }
0x27f: {  	s14 =	simm.s32 $0x5;
	[sflag:s13] =	ssyncadd.s32 $0xFFFFE000  }
0x280: {  	_ =	swait.ge [sflag:s14], $0x2000  }
0x281: {  	[sflag:s14] =	ssyncset.done $0x0  }
0x282: {  	s15 =	simm.s32 $0x6;
	[sflag:s14] =	ssyncadd.s32 $0xFFFFE000  }
0x283: {  	_ =	swait.ge [sflag:s15], $0x2000  }
0x284: {  	[sflag:s15] =	ssyncset.done $0x0  }
0x285: {  	s20 =	simm.s32 $0x7;
	[sflag:s15] =	ssyncadd.s32 $0xFFFFE000  }
0x286: {  	_ =	swait.ge [sflag:s20], $0x2000  }
0x287: {  	[sflag:s20] =	ssyncset.done $0x0  }
0x288: {  	s18 =	simm.s32 $0x8;
	[sflag:s20] =	ssyncadd.s32 $0xFFFFE000  }
0x289: {  	_ =	swait.ge [sflag:s18], $0x2000  }
0x28a: {  	s8 =	simm.s32 $0xC020;
	s10 =	simm.s32 $0x10020;
	[sflag:s18] =	ssyncset.done $0x0  }
0x28b: {  	s11 =	simm.s32 $0x0;
	s1 =	simm.s32 $0xE020;
	[sflag:s18] =	ssyncadd.s32 $0xFFFFE000  }
.LBB2_17:
0x28c: {  	v2 =	vld [tilespmem:s10+$0xFFFFFFE0];
	_ =	sdelay $0x4  }
0x28d: {  	v2 =	vmax.f32 v2, $1.000000000e+00  }
0x28e: {  	(erf) = vrcp.f32 v2;
	_ =	sdelay $0x4  }
0x28f: {  	v2 =	vld [tilespmem:s8+$0xFFFFFFE0];
	_ =	sdelay $0x1  }
0x290: {  	s4 =	sshll.u32 s11, $0x9;
	s5 =	sshll.u32 s11, $0x7  }
0x291: {  	s6 =	simm.s32 $0x0;
	s4 =	sand.u32 $0x1000, s4;
	s5 =	sand.u32 $0x380, s5  }
0x292: {  	s7 =	sand.u32 $0x40, s6;
	s12 =	sor.u32 s4, s5;
	v3 =	vpop (erf)  }
0x293: {  	s13 =	sand.u32 $0xC00, s0;
	s4 =	sor.u32 s12, s7;
	v2 =	vmul.f32 v3, v2  }
0x294: {  	s4 =	sor.u32 s13, s4  }
0x295: {  	[tilespmem:s4+$0x0] =	vst v2  }
0x296: {  	v2 =	vld [tilespmem:s1+$0xFFFFFFE0];
	_ =	sdelay $0x4  }
0x297: {  	v2 =	vmul.f32 v2, v3;
	_ =	sdelay $0x1  }
0x298: {  	[tilespmem:s4+$0x2000] =	vst v2  }
0x299: {  	v2 =	vld [tilespmem:s10+$0xFFFFFFF0];
	_ =	sdelay $0x4  }
0x29a: {  	v2 =	vmax.f32 v2, $1.000000000e+00  }
0x29b: {  	(erf) = vrcp.f32 v2;
	_ =	sdelay $0x4  }
0x29c: {  	v2 =	vld [tilespmem:s8+$0xFFFFFFF0];
	_ =	sdelay $0x2  }
0x29d: {  	s14 =	simm.s32 $0x10  }
0x29e: {  	s4 =	sand.u32 $0x50, s14;
	v3 =	vpop (erf)  }
0x29f: {  	s4 =	sor.u32 s12, s4;
	v2 =	vmul.f32 v3, v2  }
0x2a0: {  	s4 =	sor.u32 s13, s4  }
0x2a1: {  	[tilespmem:s4+$0x0] =	vst v2  }
0x2a2: {  	v2 =	vld [tilespmem:s1+$0xFFFFFFF0];
	_ =	sdelay $0x4  }
0x2a3: {  	v2 =	vmul.f32 v2, v3;
	_ =	sdelay $0x1  }
0x2a4: {  	[tilespmem:s4+$0x2000] =	vst v2  }
0x2a5: {  	v2 =	vld [tilespmem:s10+$0x0];
	_ =	sdelay $0x4  }
0x2a6: {  	v2 =	vmax.f32 v2, $1.000000000e+00  }
0x2a7: {  	(erf) = vrcp.f32 v2;
	_ =	sdelay $0x4  }
0x2a8: {  	v2 =	vld [tilespmem:s8+$0x0];
	_ =	sdelay $0x2  }
0x2a9: {  	s15 =	simm.s32 $0x20  }
0x2aa: {  	s4 =	sand.u32 $0x60, s15;
	v3 =	vpop (erf)  }
0x2ab: {  	s4 =	sor.u32 s12, s4;
	v2 =	vmul.f32 v3, v2  }
0x2ac: {  	s4 =	sor.u32 s13, s4  }
0x2ad: {  	[tilespmem:s4+$0x0] =	vst v2  }
0x2ae: {  	v2 =	vld [tilespmem:s1+$0x0];
	_ =	sdelay $0x4  }
0x2af: {  	v2 =	vmul.f32 v2, v3;
	_ =	sdelay $0x1  }
0x2b0: {  	[tilespmem:s4+$0x2000] =	vst v2  }
0x2b1: {  	v2 =	vld [tilespmem:s10+$0x10];
	_ =	sdelay $0x4  }
0x2b2: {  	v2 =	vmax.f32 v2, $1.000000000e+00  }
0x2b3: {  	(erf) = vrcp.f32 v2;
	_ =	sdelay $0x4  }
0x2b4: {  	v2 =	vld [tilespmem:s8+$0x10];
	_ =	sdelay $0x2  }
0x2b5: {  	s18 =	simm.s32 $0x30  }
0x2b6: {  	s4 =	sand.u32 $0x70, s18;
	v3 =	vpop (erf)  }
0x2b7: {  	s4 =	sor.u32 s12, s4;
	v2 =	vmul.f32 v3, v2  }
0x2b8: {  	s4 =	sor.u32 s13, s4  }
0x2b9: {  	[tilespmem:s4+$0x0] =	vst v2  }
0x2ba: {  	v2 =	vld [tilespmem:s1+$0x10];
	_ =	sdelay $0x4  }
0x2bb: {  	s5 =	simm.s32 $0x70;
	s7 =	sadd.s32 $0x40, s10;
	v2 =	vmul.f32 v2, v3  }
0x2bc: {  	s14 =	smov.u32 s1;
	s15 =	smov.u32 s8;
	s13 =	simm.s32 $0x0  }
.LBB2_18:
0x2bd: {  	[tilespmem:s4+$0x2000] =	vst v2;
	s13 =	sadd.s32 $0x200, s13;
	s14 =	sadd.s32 $0x40, s14;
	s15 =	sadd.s32 $0x40, s15  }
0x2be: {  	p0 =	sne.s32 s5, $0x1F0;
	s4 =	smov.u32 s5;
	s5 =	sadd.s32 $0x40, s5;
	v2 =	vld [tilespmem:s7+$0xFFFFFFE0]  }
0x2bf: {  	_ =	sdelay $0x3  }
0x2c0: {  	v2 =	vmax.f32 v2, $1.000000000e+00  }
0x2c1: {  	(erf) = vrcp.f32 v2;
	_ =	sdelay $0x4  }
0x2c2: {  	v2 =	vld [tilespmem:s15+$0xFFFFFFE0];
	_ =	sdelay $0x2  }
0x2c3: {  	s6 =	sadd.s32 $0xFFFFFFD0, s4  }
0x2c4: {  	s6 =	sand.u32 $0x40, s6;
	v3 =	vpop (erf)  }
0x2c5: {  	s18 =	sand.u32 $0xC00, s13;
	s6 =	sor.u32 s12, s6;
	v2 =	vmul.f32 v3, v2  }
0x2c6: {  	s6 =	sor.u32 s18, s6  }
0x2c7: {  	[tilespmem:s6+$0x0] =	vst v2  }
0x2c8: {  	v2 =	vld [tilespmem:s14+$0xFFFFFFE0];
	_ =	sdelay $0x4  }
0x2c9: {  	v2 =	vmul.f32 v2, v3;
	_ =	sdelay $0x1  }
0x2ca: {  	[tilespmem:s6+$0x2000] =	vst v2  }
0x2cb: {  	v2 =	vld [tilespmem:s7+$0xFFFFFFF0];
	_ =	sdelay $0x4  }
0x2cc: {  	v2 =	vmax.f32 v2, $1.000000000e+00  }
0x2cd: {  	(erf) = vrcp.f32 v2;
	_ =	sdelay $0x4  }
0x2ce: {  	v2 =	vld [tilespmem:s15+$0xFFFFFFF0];
	_ =	sdelay $0x2  }
0x2cf: {  	s6 =	sadd.s32 $0xFFFFFFE0, s4  }
0x2d0: {  	s6 =	sand.u32 $0x50, s6;
	v3 =	vpop (erf)  }
0x2d1: {  	s6 =	sor.u32 s12, s6;
	v2 =	vmul.f32 v3, v2  }
0x2d2: {  	s6 =	sor.u32 s18, s6  }
0x2d3: {  	[tilespmem:s6+$0x0] =	vst v2  }
0x2d4: {  	v2 =	vld [tilespmem:s14+$0xFFFFFFF0];
	_ =	sdelay $0x4  }
0x2d5: {  	v2 =	vmul.f32 v2, v3;
	_ =	sdelay $0x1  }
0x2d6: {  	[tilespmem:s6+$0x2000] =	vst v2  }
0x2d7: {  	v2 =	vld [tilespmem:s7+$0x0];
	_ =	sdelay $0x4  }
0x2d8: {  	v2 =	vmax.f32 v2, $1.000000000e+00  }
0x2d9: {  	(erf) = vrcp.f32 v2;
	_ =	sdelay $0x4  }
0x2da: {  	v2 =	vld [tilespmem:s15+$0x0];
	_ =	sdelay $0x2  }
0x2db: {  	s6 =	sadd.s32 $0xFFFFFFF0, s4  }
0x2dc: {  	s6 =	sand.u32 $0x60, s6;
	v3 =	vpop (erf)  }
0x2dd: {  	s6 =	sor.u32 s12, s6;
	v2 =	vmul.f32 v3, v2  }
0x2de: {  	s6 =	sor.u32 s18, s6  }
0x2df: {  	[tilespmem:s6+$0x0] =	vst v2  }
0x2e0: {  	v2 =	vld [tilespmem:s14+$0x0];
	_ =	sdelay $0x4  }
0x2e1: {  	v2 =	vmul.f32 v2, v3;
	_ =	sdelay $0x1  }
0x2e2: {  	[tilespmem:s6+$0x2000] =	vst v2  }
0x2e3: {  	v2 =	vld [tilespmem:s7+$0x10]  }
0x2e4: {  	v3 =	vld [tilespmem:s15+$0x10];
	_ =	sdelay $0x3  }
0x2e5: {  	v2 =	vmax.f32 v2, $1.000000000e+00  }
0x2e6: {  	(erf) = vrcp.f32 v2;
	_ =	sdelay $0x8  }
0x2e7: {  	s4 =	sand.u32 $0x70, s4;
	v2 =	vpop (erf)  }
0x2e8: {  	s4 =	sor.u32 s12, s4;
	v3 =	vmul.f32 v2, v3  }
0x2e9: {  	s4 =	sor.u32 s18, s4  }
0x2ea: {  	[tilespmem:s4+$0x0] =	vst v3  }
0x2eb: {  	v3 =	vld [tilespmem:s14+$0x10];
	_ =	sdelay $0x1  }
.Ltmp7:
0x2ec: {  	(pc) =	sbr.rel @p0 .LBB2_18-.Ltmp7, $3  }
0x2ed: {  	_ =	sdelay $0x1  }
0x2ee: {  	v2 =	vmul.f32 v3, v2  }
0x2ef: {  	s7 =	sadd.s32 $0x40, s7  }
0x2f0: {  	s11 =	sadd.s32 $0x1, s11  }
0x2f1: {  	p0 =	sne.s32 s11, $0x10  }
.Ltmp8:
0x2f2: {  	_ = 	snop;
	(pc) =	sbr.rel @p0 .LBB2_17-.Ltmp8, $2  }
0x2f3: {  	_ =	sdelay $0x2  }
0x2f4: {  	[tilespmem:s4+$0x2000] =	vst v2;
	s1 =	sadd.s32 $0x200, s1;
	s8 =	sadd.s32 $0x200, s8;
	s10 =	sadd.s32 $0x200, s10  }
0x2f5: {  	s0 =	sadd.s32 s2, s25;
	s1 =	simm.s32 $0x0;
	s11 =	rddreg [dreg:$0x11]  }
0x2f6: {  	[hbm4b:s0+s1] =	stream.linear.scatter [tilespmem:s1], [sflag:$0x7], $0x2000, $0x38;
	v63 =	vld [tilespmem:$0x0]  }
0x2f7: {  	s0 =	sadd.s32 s2, s11  }
0x2f8: {  	[hbm4b:s0+s1] =	stream.linear.scatter [tilespmem:s22], [sflag:$0x8], $0x2000, $0x38;
	v63 =	vld [tilespmem:$0x0]  }
0x2f9: {  	_ = 	snop  }
0x2fa: {  	[spmem:s24] =	stream.linear.scatter [tilespmem:s30], [sflag:$0x4], $0x2000, $0x38;
	v63 =	vld [tilespmem:$0x0]  }
0x2fb: {  	_ = 	snop  }
0x2fc: {  	[spmem:s3] =	stream.linear.scatter [tilespmem:s30], [sflag:$0x5], $0x2000, $0x38;
	v63 =	vld [tilespmem:$0x0]  }
0x2fd: {  	_ = 	snop  }
0x2fe: {  	[spmem:s28] =	stream.linear.scatter [tilespmem:s30], [sflag:$0x6], $0x2000, $0x38;
	v63 =	vld [tilespmem:$0x0]  }
0x2ff: {  	_ =	swait.ge [sflag:s20], $0x2000  }
0x300: {  	[sflag:s20] =	ssyncset.done $0x0  }
0x301: {  	s12 =	simm.s32 $0x8;
	[sflag:s20] =	ssyncadd.s32 $0xFFFFE000  }
0x302: {  	_ =	swait.ge [sflag:s12], $0x2000  }
0x303: {  	[sflag:s12] =	ssyncset.done $0x0  }
0x304: {  	s13 =	simm.s32 $0x1;
	[sflag:s12] =	ssyncadd.s32 $0xFFFFE000  }
0x305: {  	_ =	swait.ge [sflag:s13], $0x2000  }
0x306: {  	[sflag:s13] =	ssyncset.done $0x0  }
0x307: {  	s14 =	simm.s32 $0x2;
	[sflag:s13] =	ssyncadd.s32 $0xFFFFE000  }
0x308: {  	_ =	swait.ge [sflag:s14], $0x2000  }
0x309: {  	[sflag:s14] =	ssyncset.done $0x0  }
0x30a: {  	s15 =	simm.s32 $0x3;
	[sflag:s14] =	ssyncadd.s32 $0xFFFFE000  }
0x30b: {  	_ =	swait.ge [sflag:s15], $0x2000  }
0x30c: {  	[sflag:s15] =	ssyncset.done $0x0  }
0x30d: {  	s18 =	simm.s32 $0x4;
	[sflag:s15] =	ssyncadd.s32 $0xFFFFE000  }
0x30e: {  	_ =	swait.ge [sflag:s18], $0x2000  }
0x30f: {  	[sflag:s18] =	ssyncset.done $0x0  }
0x310: {  	s20 =	simm.s32 $0x5;
	[sflag:s18] =	ssyncadd.s32 $0xFFFFE000  }
0x311: {  	_ =	swait.ge [sflag:s20], $0x2000  }
0x312: {  	s16 =	sadd.s32 $0x1, s16;
	[sflag:s20] =	ssyncset.done $0x0  }
0x313: {  	s25 =	simm.s32 $0x6;
	p0 =	sne.s32 s16, $0x10;
	[sflag:s20] =	ssyncadd.s32 $0xFFFFE000  }
.Ltmp9:
0x314: {  	_ =	swait.ge [sflag:s25], $0x2000;
	(pc) =	sbr.rel @p0 .LBB2_4-.Ltmp9, $3  }
0x315: {  	[sflag:s25] =	ssyncset.done $0x0  }
0x316: {  	[sflag:s25] =	ssyncadd.s32 $0xFFFFE000  }
0x317: {  	[bflag:$0x0] =	sbarrier.arrive $0xFFFF;
	_ =	sdelay $0x1  }
0x318: {  	s1 =	rddreg [dreg:$0xf]  }
0x319: {  	s0 =	rddreg [dreg:$0xe];
	s1 =	sadd.s32 $0x1, s1  }
0x31a: {  	p0 =	sne.s32 s1, s0  }
.Ltmp10:
0x31b: {  	_ = 	snop;
	(pc) =	sbr.rel @p0 .LBB2_1-.Ltmp10, $1  }
0x31c: {  	_ =	sdelay $0x3  }
0x31d: {  	_ =	sfence.sel $0x180000  }
0x31e: {  	[bflag:$0x0] =	sbarrier.arrive $0xFFFF  }
0x31f: {  	_ =	strace $0x90000047  }
0x320: {  	s0 =	stileid.u32;
	[bflag:$0x2] =	sbarrier.arrive $0xFFFF  }
0x321: {  	p0 =	sne.s32 s0, $0x0;
	s0 =	rddreg [dreg:$0x5]  }
0x322: {  	s0 =	sadd.s32 @!p0 $0x100000, s0  }
0x323: {  	[sflag:s0] =	ssyncadd.tile.s32 @!p0 $0x1;
	_ =	shalt  }
.Lfunc_end2:
_tile_overlayer_lowered:
.L_overlay_start_2:
0x324: {  	(tag) =	ssettag $0x2  }
0x325: {  	s0 =	rddreg [dreg:$0x0];
	s2 =	stileid.u32  }
0x326: {  	s1 =	rddreg [dreg:$0x1];
	p0 =	sne.s32 s2, $0x0  }
0x327: {  	s3 =	rddreg [dreg:$0x2];
	[bflag:$0x3] =	sbarrier.arrive $0xFFFF;
	s2 =	simm.s32 @!p0 $0x1C09  }
0x328: {  	[timem:s3], [sflag:s2] =	dma.local @!p0 [hbm:s0], s1  }
0x329: {  	s0 =	simm.s32 @!p0 $0x9  }
0x32a: {  	_ =	swait.ge @!p0 [sflag:s0], s1  }
0x32b: {  	s1 =	ssub.s32 @!p0 $0x0, s1;
	[sflag:s0] =	ssyncset.done @!p0 $0x0  }
0x32c: {  	[sflag:s0] =	ssyncadd.s32 @!p0 s1  }
0x32d: {  	[bflag:$0x3] =	sbarrier.arrive $0xFFFF  }
0x32e: {  	_ =	shalt  }

</sc_bundles>
